<compile_context>
chip_gen: v7x
topology: tpu7x:2x2x1
jax: 0.10.2.dev20260603
libtpu: 0.0.44.dev20260713+nightly
codegen_flags: <defaults>
</compile_context>

<pallas_src>
import functools

import jax
import jax.numpy as jnp
from jax import lax
from jax.experimental import layout as jlayout
from jax.experimental import pallas as pl
from jax.experimental.pallas import tpu as pltpu
from jax.experimental.pallas import tpu_sc as plsc

N_COLS = 26
BATCH = 16384
VOCAB = 100000
DIM = 64

NC = 2
NS = 16
NW = NC * NS
TOTAL = N_COLS * BATCH
RPW = TOTAL // NW
CHUNK = 128
BLK = 512
NCH = BLK // CHUNK
NBLK = RPW // BLK

_mesh = plsc.VectorSubcoreMesh(
    core_axis_name="c", subcore_axis_name="s", num_cores=NC, num_subcores=NS
)


@functools.partial(
    pl.kernel,
    out_type=jax.ShapeDtypeStruct((TOTAL, DIM), jnp.float32),
    mesh=_mesh,
    scratch_types=[
        pltpu.VMEM((RPW,), jnp.int32),
        pltpu.VMEM((BLK, DIM), jnp.float32),
        pltpu.VMEM((BLK, DIM), jnp.float32),
        pltpu.SemaphoreType.DMA,
        pltpu.SemaphoreType.DMA,
        pltpu.SemaphoreType.DMA,
        pltpu.SemaphoreType.DMA,
    ],
    compiler_params=pltpu.CompilerParams(use_tc_tiling_on_sc=False),
)
def _embed(idx_hbm, tab_hbm, out_hbm, idx_v, rows0, rows1, g0, g1, o0, o1):
    wid = lax.axis_index("s") * NC + lax.axis_index("c")
    base = wid * RPW
    rows = (rows0, rows1)
    gsem = (g0, g1)
    osem = (o0, o1)

    def fire_g(j, b):
        for k in range(NCH):
            pltpu.async_copy(
                tab_hbm.at[idx_v.at[pl.ds(j * BLK + k * CHUNK, CHUNK)]],
                rows[b].at[pl.ds(k * CHUNK, CHUNK)],
                gsem[b],
            )

    def drain_g(b):
        for k in range(NCH):
            pltpu.make_async_copy(
                tab_hbm.at[idx_v.at[pl.ds(k * CHUNK, CHUNK)]],
                rows[b].at[pl.ds(k * CHUNK, CHUNK)],
                gsem[b],
            ).wait()

    def fire_o(j, b):
        pltpu.async_copy(rows[b], out_hbm.at[pl.ds(base + j * BLK, BLK)], osem[b])

    def drain_o(b):
        pltpu.make_async_copy(
            rows[b], out_hbm.at[pl.ds(base, BLK)], osem[b]
        ).wait()

    pltpu.sync_copy(idx_hbm.at[pl.ds(base, RPW)], idx_v)
    fire_g(0, 0)
    fire_g(1, 1)

    @pl.loop(2, NBLK, step=2)
    def _(j0):
        for db in range(2):
            j = j0 + db
            drain_g(db)
            fire_o(j - 2, db)
            drain_o(db)
            fire_g(j, db)

    for db in range(2):
        drain_g(db)
        fire_o(NBLK - 2 + db, db)
    for db in range(2):
        drain_o(db)


def kernel(indices, tables):
    tab_lin = jlayout.with_layout_constraint(
        tables,
        jlayout.Layout(major_to_minor=(0, 1, 2), tiling=()),
    )
    tab_flat = tab_lin.reshape(N_COLS * VOCAB, DIM)
    offs = (jnp.arange(N_COLS, dtype=jnp.int32) * VOCAB)[:, None]
    flat_idx = (indices + offs).reshape(TOTAL)
    out_flat = _embed(flat_idx, tab_flat)
    return out_flat.reshape(N_COLS, BATCH, DIM)

# --- scband reference (transcript-rebuilt; emitter-appended) ---
"""Pipeline reference for scband-sub-column-embedding-45672682226140 (READ-ONLY COPY).

The authoritative reference and input builder live on the scoring server;
editing this copy changes nothing except your own understanding.
"""

import jax, jax.numpy as jnp
import numpy as np

N_COLS = 26
BATCH = 16384
VOCAB = 100000
DIM = 64

def setup_inputs(seed: int = 0) -> dict:
    key = jax.random.key(seed)
    k_idx, k_tab = jax.random.split(key)
    # 26 sub-columns of categorical indices, stacked as [N_COLS, BATCH]
    # (the torch module's forward dict {f0: [B], ..., f25: [B]} flattened)
    indices = jax.random.randint(k_idx, (N_COLS, BATCH), 0, VOCAB, dtype=jnp.int32)
    # one nn.Embedding per sub-column; all share (vocab=100000, dim=64) per
    # init_kwargs, so stack them as [N_COLS, VOCAB, DIM]
    tables = jax.random.normal(k_tab, (N_COLS, VOCAB, DIM), dtype=jnp.float32) * 0.02
    return {"indices": indices, "tables": tables}

def reference(indices, tables):
    # SubColumnEmbedding.forward: for each sub-column c,
    #   out[c] = layers['embedder@fc'](x[fc])  (an embedding gather),
    # then squeeze(-2) which is a no-op for 1-D index tensors.
    out = jax.vmap(lambda W, idx: jnp.take(W, idx, axis=0))(tables, indices)
    return out  # [N_COLS, BATCH, DIM]

if __name__ == "__main__":
    import jax
    _d = setup_inputs()
    print(jax.jit(kernel)(*tuple(_d.values())))

</pallas_src>

<mosaic_0001>
#map = affine_map<(d0, d1) -> (0)>
#map1 = affine_map<(d0, d1) -> (0, 0)>
module attributes {stable_mosaic.version = 14 : i64} {
  func.func @_embed(%arg0: i32, %arg1: i32, %arg2: memref<425984xi32, #tpu.memory_space<hbm>>, %arg3: memref<2600000x64xf32, #tpu.memory_space<hbm>>, %arg4: memref<425984x64xf32, #tpu.memory_space<hbm>>, %arg5: memref<13312xi32, #tpu.memory_space<vmem>>, %arg6: memref<512x64xf32, #tpu.memory_space<vmem>>, %arg7: memref<512x64xf32, #tpu.memory_space<vmem>>, %arg8: memref<!tpu.dma_semaphore, #tpu.memory_space<semaphore_mem>>, %arg9: memref<!tpu.dma_semaphore, #tpu.memory_space<semaphore_mem>>, %arg10: memref<!tpu.dma_semaphore, #tpu.memory_space<semaphore_mem>>, %arg11: memref<!tpu.dma_semaphore, #tpu.memory_space<semaphore_mem>>) attributes {dimension_semantics = [#tpu.dimension_semantics<core_parallel>, #tpu.dimension_semantics<subcore_parallel>], iteration_bounds = array<i64: 2, 16>, scalar_prefetch = 0 : i64, scratch_operands = 7 : i64, tpu.core_type = #tpu.core_type<sc_vector_subcore>, window_params = [{transform_indices = #map}, {transform_indices = #map1}, {transform_indices = #map1}]} {
    %mul3A = arith.constant 2 : i32
    %mul3A_0 = arith.muli %arg1, %mul3A : i32
    %add3A = arith.addi %mul3A_0, %arg0 : i32
    %mul3A_1 = arith.constant 13312 : i32
    %mul3A_2 = arith.muli %add3A, %mul3A_1 : i32
    "tpu.region"() ({
      %run_scoped3A = tpu.sem_alloc : memref<!tpu.dma_semaphore, #tpu.memory_space<semaphore_mem>>
      %dma_start3A_153 = tpu.memref_slice %arg2[%mul3A_2] : memref<425984xi32, #tpu.memory_space<hbm>> -> memref<13312xi32, #tpu.memory_space<hbm>>
      %dma_start3A_154 = tpu.memref_slice %arg2[%mul3A_2] : memref<425984xi32, #tpu.memory_space<hbm>> -> memref<13312xi32, #tpu.memory_space<hbm>>
      tpu.enqueue_dma source(%dma_start3A_154 : memref<13312xi32, #tpu.memory_space<hbm>>) target(%arg5 : memref<13312xi32, #tpu.memory_space<vmem>>) target_semaphore(%run_scoped3A : memref<!tpu.dma_semaphore, #tpu.memory_space<semaphore_mem>>)
      %dma_wait3A_155 = tpu.memref_slice %arg2[%mul3A_2] : memref<425984xi32, #tpu.memory_space<hbm>> -> memref<13312xi32, #tpu.memory_space<hbm>>
      %dma_wait3A_156 = tpu.memref_slice %arg2[%mul3A_2] : memref<425984xi32, #tpu.memory_space<hbm>> -> memref<13312xi32, #tpu.memory_space<hbm>>
      tpu.wait_dma2 semaphore(%run_scoped3A : memref<!tpu.dma_semaphore, #tpu.memory_space<semaphore_mem>>) src(%dma_wait3A_156 : memref<13312xi32, #tpu.memory_space<hbm>>) dst(%arg5 : memref<13312xi32, #tpu.memory_space<vmem>>)
      tpu.yield
    }) : () -> ()
    %dma_start3A = arith.constant 0 : i32
    %dma_start3A_3 = arith.constant 0 : i32
    %dma_start3A_4 = tpu.memref_slice %arg6[%dma_start3A, %dma_start3A_3] : memref<512x64xf32, #tpu.memory_space<vmem>> -> memref<128x64xf32, #tpu.memory_space<vmem>>
    %dma_start3A_5 = arith.constant 0 : i32
    %dma_start3A_6 = tpu.memref_slice %arg5[%dma_start3A_5] : memref<13312xi32, #tpu.memory_space<vmem>> -> memref<128xi32, #tpu.memory_space<vmem>>
    %dma_start3A_7 = arith.constant 0 : i32
    %dma_start3A_8 = arith.constant 0 : i32
    %dma_start3A_9 = tpu.memref_slice %arg3[%dma_start3A_7, %dma_start3A_8] : memref<2600000x64xf32, #tpu.memory_space<hbm>> -> memref<2600000x64xf32, #tpu.memory_space<hbm>>
    tpu.enqueue_indirect_dma source(%dma_start3A_9 : memref<2600000x64xf32, #tpu.memory_space<hbm>>) target(%dma_start3A_4 : memref<128x64xf32, #tpu.memory_space<vmem>>) offsets(%dma_start3A_6 : memref<128xi32, #tpu.memory_space<vmem>>) semaphore(%arg8 : memref<!tpu.dma_semaphore, #tpu.memory_space<semaphore_mem>>)
    %dma_start3A_10 = arith.constant 128 : i32
    %dma_start3A_11 = arith.constant 0 : i32
    %dma_start3A_12 = tpu.memref_slice %arg6[%dma_start3A_10, %dma_start3A_11] : memref<512x64xf32, #tpu.memory_space<vmem>> -> memref<128x64xf32, #tpu.memory_space<vmem>>
    %dma_start3A_13 = arith.constant 128 : i32
    %dma_start3A_14 = tpu.memref_slice %arg5[%dma_start3A_13] : memref<13312xi32, #tpu.memory_space<vmem>> -> memref<128xi32, #tpu.memory_space<vmem>>
    %dma_start3A_15 = arith.constant 0 : i32
    %dma_start3A_16 = arith.constant 0 : i32
    %dma_start3A_17 = tpu.memref_slice %arg3[%dma_start3A_15, %dma_start3A_16] : memref<2600000x64xf32, #tpu.memory_space<hbm>> -> memref<2600000x64xf32, #tpu.memory_space<hbm>>
    tpu.enqueue_indirect_dma source(%dma_start3A_17 : memref<2600000x64xf32, #tpu.memory_space<hbm>>) target(%dma_start3A_12 : memref<128x64xf32, #tpu.memory_space<vmem>>) offsets(%dma_start3A_14 : memref<128xi32, #tpu.memory_space<vmem>>) semaphore(%arg8 : memref<!tpu.dma_semaphore, #tpu.memory_space<semaphore_mem>>)
    %dma_start3A_18 = arith.constant 256 : i32
    %dma_start3A_19 = arith.constant 0 : i32
    %dma_start3A_20 = tpu.memref_slice %arg6[%dma_start3A_18, %dma_start3A_19] : memref<512x64xf32, #tpu.memory_space<vmem>> -> memref<128x64xf32, #tpu.memory_space<vmem>>
    %dma_start3A_21 = arith.constant 256 : i32
    %dma_start3A_22 = tpu.memref_slice %arg5[%dma_start3A_21] : memref<13312xi32, #tpu.memory_space<vmem>> -> memref<128xi32, #tpu.memory_space<vmem>>
    %dma_start3A_23 = arith.constant 0 : i32
    %dma_start3A_24 = arith.constant 0 : i32
    %dma_start3A_25 = tpu.memref_slice %arg3[%dma_start3A_23, %dma_start3A_24] : memref<2600000x64xf32, #tpu.memory_space<hbm>> -> memref<2600000x64xf32, #tpu.memory_space<hbm>>
    tpu.enqueue_indirect_dma source(%dma_start3A_25 : memref<2600000x64xf32, #tpu.memory_space<hbm>>) target(%dma_start3A_20 : memref<128x64xf32, #tpu.memory_space<vmem>>) offsets(%dma_start3A_22 : memref<128xi32, #tpu.memory_space<vmem>>) semaphore(%arg8 : memref<!tpu.dma_semaphore, #tpu.memory_space<semaphore_mem>>)
    %dma_start3A_26 = arith.constant 384 : i32
    %dma_start3A_27 = arith.constant 0 : i32
    %dma_start3A_28 = tpu.memref_slice %arg6[%dma_start3A_26, %dma_start3A_27] : memref<512x64xf32, #tpu.memory_space<vmem>> -> memref<128x64xf32, #tpu.memory_space<vmem>>
    %dma_start3A_29 = arith.constant 384 : i32
    %dma_start3A_30 = tpu.memref_slice %arg5[%dma_start3A_29] : memref<13312xi32, #tpu.memory_space<vmem>> -> memref<128xi32, #tpu.memory_space<vmem>>
    %dma_start3A_31 = arith.constant 0 : i32
    %dma_start3A_32 = arith.constant 0 : i32
    %dma_start3A_33 = tpu.memref_slice %arg3[%dma_start3A_31, %dma_start3A_32] : memref<2600000x64xf32, #tpu.memory_space<hbm>> -> memref<2600000x64xf32, #tpu.memory_space<hbm>>
    tpu.enqueue_indirect_dma source(%dma_start3A_33 : memref<2600000x64xf32, #tpu.memory_space<hbm>>) target(%dma_start3A_28 : memref<128x64xf32, #tpu.memory_space<vmem>>) offsets(%dma_start3A_30 : memref<128xi32, #tpu.memory_space<vmem>>) semaphore(%arg8 : memref<!tpu.dma_semaphore, #tpu.memory_space<semaphore_mem>>)
    %dma_start3A_34 = arith.constant 0 : i32
    %dma_start3A_35 = arith.constant 0 : i32
    %dma_start3A_36 = tpu.memref_slice %arg7[%dma_start3A_34, %dma_start3A_35] : memref<512x64xf32, #tpu.memory_space<vmem>> -> memref<128x64xf32, #tpu.memory_space<vmem>>
    %dma_start3A_37 = arith.constant 512 : i32
    %dma_start3A_38 = tpu.memref_slice %arg5[%dma_start3A_37] : memref<13312xi32, #tpu.memory_space<vmem>> -> memref<128xi32, #tpu.memory_space<vmem>>
    %dma_start3A_39 = arith.constant 0 : i32
    %dma_start3A_40 = arith.constant 0 : i32
    %dma_start3A_41 = tpu.memref_slice %arg3[%dma_start3A_39, %dma_start3A_40] : memref<2600000x64xf32, #tpu.memory_space<hbm>> -> memref<2600000x64xf32, #tpu.memory_space<hbm>>
    tpu.enqueue_indirect_dma source(%dma_start3A_41 : memref<2600000x64xf32, #tpu.memory_space<hbm>>) target(%dma_start3A_36 : memref<128x64xf32, #tpu.memory_space<vmem>>) offsets(%dma_start3A_38 : memref<128xi32, #tpu.memory_space<vmem>>) semaphore(%arg9 : memref<!tpu.dma_semaphore, #tpu.memory_space<semaphore_mem>>)
    %dma_start3A_42 = arith.constant 128 : i32
    %dma_start3A_43 = arith.constant 0 : i32
    %dma_start3A_44 = tpu.memref_slice %arg7[%dma_start3A_42, %dma_start3A_43] : memref<512x64xf32, #tpu.memory_space<vmem>> -> memref<128x64xf32, #tpu.memory_space<vmem>>
    %dma_start3A_45 = arith.constant 640 : i32
    %dma_start3A_46 = tpu.memref_slice %arg5[%dma_start3A_45] : memref<13312xi32, #tpu.memory_space<vmem>> -> memref<128xi32, #tpu.memory_space<vmem>>
    %dma_start3A_47 = arith.constant 0 : i32
    %dma_start3A_48 = arith.constant 0 : i32
    %dma_start3A_49 = tpu.memref_slice %arg3[%dma_start3A_47, %dma_start3A_48] : memref<2600000x64xf32, #tpu.memory_space<hbm>> -> memref<2600000x64xf32, #tpu.memory_space<hbm>>
    tpu.enqueue_indirect_dma source(%dma_start3A_49 : memref<2600000x64xf32, #tpu.memory_space<hbm>>) target(%dma_start3A_44 : memref<128x64xf32, #tpu.memory_space<vmem>>) offsets(%dma_start3A_46 : memref<128xi32, #tpu.memory_space<vmem>>) semaphore(%arg9 : memref<!tpu.dma_semaphore, #tpu.memory_space<semaphore_mem>>)
    %dma_start3A_50 = arith.constant 256 : i32
    %dma_start3A_51 = arith.constant 0 : i32
    %dma_start3A_52 = tpu.memref_slice %arg7[%dma_start3A_50, %dma_start3A_51] : memref<512x64xf32, #tpu.memory_space<vmem>> -> memref<128x64xf32, #tpu.memory_space<vmem>>
    %dma_start3A_53 = arith.constant 768 : i32
    %dma_start3A_54 = tpu.memref_slice %arg5[%dma_start3A_53] : memref<13312xi32, #tpu.memory_space<vmem>> -> memref<128xi32, #tpu.memory_space<vmem>>
    %dma_start3A_55 = arith.constant 0 : i32
    %dma_start3A_56 = arith.constant 0 : i32
    %dma_start3A_57 = tpu.memref_slice %arg3[%dma_start3A_55, %dma_start3A_56] : memref<2600000x64xf32, #tpu.memory_space<hbm>> -> memref<2600000x64xf32, #tpu.memory_space<hbm>>
    tpu.enqueue_indirect_dma source(%dma_start3A_57 : memref<2600000x64xf32, #tpu.memory_space<hbm>>) target(%dma_start3A_52 : memref<128x64xf32, #tpu.memory_space<vmem>>) offsets(%dma_start3A_54 : memref<128xi32, #tpu.memory_space<vmem>>) semaphore(%arg9 : memref<!tpu.dma_semaphore, #tpu.memory_space<semaphore_mem>>)
    %dma_start3A_58 = arith.constant 384 : i32
    %dma_start3A_59 = arith.constant 0 : i32
    %dma_start3A_60 = tpu.memref_slice %arg7[%dma_start3A_58, %dma_start3A_59] : memref<512x64xf32, #tpu.memory_space<vmem>> -> memref<128x64xf32, #tpu.memory_space<vmem>>
    %dma_start3A_61 = arith.constant 896 : i32
    %dma_start3A_62 = tpu.memref_slice %arg5[%dma_start3A_61] : memref<13312xi32, #tpu.memory_space<vmem>> -> memref<128xi32, #tpu.memory_space<vmem>>
    %dma_start3A_63 = arith.constant 0 : i32
    %dma_start3A_64 = arith.constant 0 : i32
    %dma_start3A_65 = tpu.memref_slice %arg3[%dma_start3A_63, %dma_start3A_64] : memref<2600000x64xf32, #tpu.memory_space<hbm>> -> memref<2600000x64xf32, #tpu.memory_space<hbm>>
    tpu.enqueue_indirect_dma source(%dma_start3A_65 : memref<2600000x64xf32, #tpu.memory_space<hbm>>) target(%dma_start3A_60 : memref<128x64xf32, #tpu.memory_space<vmem>>) offsets(%dma_start3A_62 : memref<128xi32, #tpu.memory_space<vmem>>) semaphore(%arg9 : memref<!tpu.dma_semaphore, #tpu.memory_space<semaphore_mem>>)
    %scan3A = arith.constant 0 : i32
    %scan3A_66 = arith.constant 12 : i32
    %scan3A_67 = arith.addi %scan3A, %scan3A_66 : i32
    %scan3A_68 = arith.constant 1 : i32
    scf.for %scan3A_153 = %scan3A to %scan3A_67 step %scan3A_68  : i32 {
      %mul3A_154 = arith.constant 2 : i32
      %mul3A_155 = arith.muli %scan3A_153, %mul3A_154 : i32
      %add3A_156 = arith.constant 2 : i32
      %add3A_157 = arith.addi %add3A_156, %mul3A_155 : i32
      %add3A_158 = arith.constant 0 : i32
      %add3A_159 = arith.addi %add3A_157, %add3A_158 : i32
      %dma_wait3A_160 = arith.constant 0 : i32
      %dma_wait3A_161 = arith.constant 0 : i32
      %dma_wait3A_162 = tpu.memref_slice %arg6[%dma_wait3A_160, %dma_wait3A_161] : memref<512x64xf32, #tpu.memory_space<vmem>> -> memref<128x64xf32, #tpu.memory_space<vmem>>
      %dma_wait3A_163 = arith.constant 0 : i32
      %dma_wait3A_164 = tpu.memref_slice %arg5[%dma_wait3A_163] : memref<13312xi32, #tpu.memory_space<vmem>> -> memref<128xi32, #tpu.memory_space<vmem>>
      %dma_wait3A_165 = arith.constant 0 : i32
      %dma_wait3A_166 = arith.constant 0 : i32
      %dma_wait3A_167 = tpu.memref_slice %arg3[%dma_wait3A_165, %dma_wait3A_166] : memref<2600000x64xf32, #tpu.memory_space<hbm>> -> memref<2600000x64xf32, #tpu.memory_space<hbm>>
      tpu.wait_indirect_dma semaphore(%arg8 : memref<!tpu.dma_semaphore, #tpu.memory_space<semaphore_mem>>) src(%dma_wait3A_167 : memref<2600000x64xf32, #tpu.memory_space<hbm>>) dst(%dma_wait3A_162 : memref<128x64xf32, #tpu.memory_space<vmem>>)
      %dma_wait3A_168 = arith.constant 128 : i32
      %dma_wait3A_169 = arith.constant 0 : i32
      %dma_wait3A_170 = tpu.memref_slice %arg6[%dma_wait3A_168, %dma_wait3A_169] : memref<512x64xf32, #tpu.memory_space<vmem>> -> memref<128x64xf32, #tpu.memory_space<vmem>>
      %dma_wait3A_171 = arith.constant 128 : i32
      %dma_wait3A_172 = tpu.memref_slice %arg5[%dma_wait3A_171] : memref<13312xi32, #tpu.memory_space<vmem>> -> memref<128xi32, #tpu.memory_space<vmem>>
      %dma_wait3A_173 = arith.constant 0 : i32
      %dma_wait3A_174 = arith.constant 0 : i32
      %dma_wait3A_175 = tpu.memref_slice %arg3[%dma_wait3A_173, %dma_wait3A_174] : memref<2600000x64xf32, #tpu.memory_space<hbm>> -> memref<2600000x64xf32, #tpu.memory_space<hbm>>
      tpu.wait_indirect_dma semaphore(%arg8 : memref<!tpu.dma_semaphore, #tpu.memory_space<semaphore_mem>>) src(%dma_wait3A_175 : memref<2600000x64xf32, #tpu.memory_space<hbm>>) dst(%dma_wait3A_170 : memref<128x64xf32, #tpu.memory_space<vmem>>)
      %dma_wait3A_176 = arith.constant 256 : i32
      %dma_wait3A_177 = arith.constant 0 : i32
      %dma_wait3A_178 = tpu.memref_slice %arg6[%dma_wait3A_176, %dma_wait3A_177] : memref<512x64xf32, #tpu.memory_space<vmem>> -> memref<128x64xf32, #tpu.memory_space<vmem>>
      %dma_wait3A_179 = arith.constant 256 : i32
      %dma_wait3A_180 = tpu.memref_slice %arg5[%dma_wait3A_179] : memref<13312xi32, #tpu.memory_space<vmem>> -> memref<128xi32, #tpu.memory_space<vmem>>
      %dma_wait3A_181 = arith.constant 0 : i32
      %dma_wait3A_182 = arith.constant 0 : i32
      %dma_wait3A_183 = tpu.memref_slice %arg3[%dma_wait3A_181, %dma_wait3A_182] : memref<2600000x64xf32, #tpu.memory_space<hbm>> -> memref<2600000x64xf32, #tpu.memory_space<hbm>>
      tpu.wait_indirect_dma semaphore(%arg8 : memref<!tpu.dma_semaphore, #tpu.memory_space<semaphore_mem>>) src(%dma_wait3A_183 : memref<2600000x64xf32, #tpu.memory_space<hbm>>) dst(%dma_wait3A_178 : memref<128x64xf32, #tpu.memory_space<vmem>>)
      %dma_wait3A_184 = arith.constant 384 : i32
      %dma_wait3A_185 = arith.constant 0 : i32
      %dma_wait3A_186 = tpu.memref_slice %arg6[%dma_wait3A_184, %dma_wait3A_185] : memref<512x64xf32, #tpu.memory_space<vmem>> -> memref<128x64xf32, #tpu.memory_space<vmem>>
      %dma_wait3A_187 = arith.constant 384 : i32
      %dma_wait3A_188 = tpu.memref_slice %arg5[%dma_wait3A_187] : memref<13312xi32, #tpu.memory_space<vmem>> -> memref<128xi32, #tpu.memory_space<vmem>>
      %dma_wait3A_189 = arith.constant 0 : i32
      %dma_wait3A_190 = arith.constant 0 : i32
      %dma_wait3A_191 = tpu.memref_slice %arg3[%dma_wait3A_189, %dma_wait3A_190] : memref<2600000x64xf32, #tpu.memory_space<hbm>> -> memref<2600000x64xf32, #tpu.memory_space<hbm>>
      tpu.wait_indirect_dma semaphore(%arg8 : memref<!tpu.dma_semaphore, #tpu.memory_space<semaphore_mem>>) src(%dma_wait3A_191 : memref<2600000x64xf32, #tpu.memory_space<hbm>>) dst(%dma_wait3A_186 : memref<128x64xf32, #tpu.memory_space<vmem>>)
      %sub3A = arith.constant 2 : i32
      %sub3A_192 = arith.subi %add3A_159, %sub3A : i32
      %mul3A_193 = arith.constant 512 : i32
      %mul3A_194 = arith.muli %sub3A_192, %mul3A_193 : i32
      %add3A_195 = arith.addi %mul3A_2, %mul3A_194 : i32
      %dma_start3A_196 = arith.constant 0 : i32
      %dma_start3A_197 = tpu.memref_slice %arg4[%add3A_195, %dma_start3A_196] : memref<425984x64xf32, #tpu.memory_space<hbm>> -> memref<512x64xf32, #tpu.memory_space<hbm>>
      %dma_start3A_198 = arith.constant 0 : i32
      %dma_start3A_199 = tpu.memref_slice %arg4[%add3A_195, %dma_start3A_198] : memref<425984x64xf32, #tpu.memory_space<hbm>> -> memref<512x64xf32, #tpu.memory_space<hbm>>
      tpu.enqueue_dma source(%arg6 : memref<512x64xf32, #tpu.memory_space<vmem>>) target(%dma_start3A_199 : memref<512x64xf32, #tpu.memory_space<hbm>>) target_semaphore(%arg10 : memref<!tpu.dma_semaphore, #tpu.memory_space<semaphore_mem>>)
      %dma_wait3A_200 = arith.constant 0 : i32
      %dma_wait3A_201 = tpu.memref_slice %arg4[%mul3A_2, %dma_wait3A_200] : memref<425984x64xf32, #tpu.memory_space<hbm>> -> memref<512x64xf32, #tpu.memory_space<hbm>>
      %dma_wait3A_202 = arith.constant 0 : i32
      %dma_wait3A_203 = tpu.memref_slice %arg4[%mul3A_2, %dma_wait3A_202] : memref<425984x64xf32, #tpu.memory_space<hbm>> -> memref<512x64xf32, #tpu.memory_space<hbm>>
      tpu.wait_dma2 semaphore(%arg10 : memref<!tpu.dma_semaphore, #tpu.memory_space<semaphore_mem>>) src(%arg6 : memref<512x64xf32, #tpu.memory_space<vmem>>) dst(%dma_wait3A_203 : memref<512x64xf32, #tpu.memory_space<hbm>>)
      %mul3A_204 = arith.constant 512 : i32
      %mul3A_205 = arith.muli %add3A_159, %mul3A_204 : i32
      %add3A_206 = arith.constant 0 : i32
      %add3A_207 = arith.addi %mul3A_205, %add3A_206 : i32
      %dma_start3A_208 = arith.constant 0 : i32
      %dma_start3A_209 = arith.constant 0 : i32
      %dma_start3A_210 = tpu.memref_slice %arg6[%dma_start3A_208, %dma_start3A_209] : memref<512x64xf32, #tpu.memory_space<vmem>> -> memref<128x64xf32, #tpu.memory_space<vmem>>
      %dma_start3A_211 = tpu.memref_slice %arg5[%add3A_207] : memref<13312xi32, #tpu.memory_space<vmem>> -> memref<128xi32, #tpu.memory_space<vmem>>
      %dma_start3A_212 = arith.constant 0 : i32
      %dma_start3A_213 = arith.constant 0 : i32
      %dma_start3A_214 = tpu.memref_slice %arg3[%dma_start3A_212, %dma_start3A_213] : memref<2600000x64xf32, #tpu.memory_space<hbm>> -> memref<2600000x64xf32, #tpu.memory_space<hbm>>
      tpu.enqueue_indirect_dma source(%dma_start3A_214 : memref<2600000x64xf32, #tpu.memory_space<hbm>>) target(%dma_start3A_210 : memref<128x64xf32, #tpu.memory_space<vmem>>) offsets(%dma_start3A_211 : memref<128xi32, #tpu.memory_space<vmem>>) semaphore(%arg8 : memref<!tpu.dma_semaphore, #tpu.memory_space<semaphore_mem>>)
      %mul3A_215 = arith.constant 512 : i32
      %mul3A_216 = arith.muli %add3A_159, %mul3A_215 : i32
      %add3A_217 = arith.constant 128 : i32
      %add3A_218 = arith.addi %mul3A_216, %add3A_217 : i32
      %dma_start3A_219 = arith.constant 128 : i32
      %dma_start3A_220 = arith.constant 0 : i32
      %dma_start3A_221 = tpu.memref_slice %arg6[%dma_start3A_219, %dma_start3A_220] : memref<512x64xf32, #tpu.memory_space<vmem>> -> memref<128x64xf32, #tpu.memory_space<vmem>>
      %dma_start3A_222 = tpu.memref_slice %arg5[%add3A_218] : memref<13312xi32, #tpu.memory_space<vmem>> -> memref<128xi32, #tpu.memory_space<vmem>>
      %dma_start3A_223 = arith.constant 0 : i32
      %dma_start3A_224 = arith.constant 0 : i32
      %dma_start3A_225 = tpu.memref_slice %arg3[%dma_start3A_223, %dma_start3A_224] : memref<2600000x64xf32, #tpu.memory_space<hbm>> -> memref<2600000x64xf32, #tpu.memory_space<hbm>>
      tpu.enqueue_indirect_dma source(%dma_start3A_225 : memref<2600000x64xf32, #tpu.memory_space<hbm>>) target(%dma_start3A_221 : memref<128x64xf32, #tpu.memory_space<vmem>>) offsets(%dma_start3A_222 : memref<128xi32, #tpu.memory_space<vmem>>) semaphore(%arg8 : memref<!tpu.dma_semaphore, #tpu.memory_space<semaphore_mem>>)
      %mul3A_226 = arith.constant 512 : i32
      %mul3A_227 = arith.muli %add3A_159, %mul3A_226 : i32
      %add3A_228 = arith.constant 256 : i32
      %add3A_229 = arith.addi %mul3A_227, %add3A_228 : i32
      %dma_start3A_230 = arith.constant 256 : i32
      %dma_start3A_231 = arith.constant 0 : i32
      %dma_start3A_232 = tpu.memref_slice %arg6[%dma_start3A_230, %dma_start3A_231] : memref<512x64xf32, #tpu.memory_space<vmem>> -> memref<128x64xf32, #tpu.memory_space<vmem>>
      %dma_start3A_233 = tpu.memref_slice %arg5[%add3A_229] : memref<13312xi32, #tpu.memory_space<vmem>> -> memref<128xi32, #tpu.memory_space<vmem>>
      %dma_start3A_234 = arith.constant 0 : i32
      %dma_start3A_235 = arith.constant 0 : i32
      %dma_start3A_236 = tpu.memref_slice %arg3[%dma_start3A_234, %dma_start3A_235] : memref<2600000x64xf32, #tpu.memory_space<hbm>> -> memref<2600000x64xf32, #tpu.memory_space<hbm>>
      tpu.enqueue_indirect_dma source(%dma_start3A_236 : memref<2600000x64xf32, #tpu.memory_space<hbm>>) target(%dma_start3A_232 : memref<128x64xf32, #tpu.memory_space<vmem>>) offsets(%dma_start3A_233 : memref<128xi32, #tpu.memory_space<vmem>>) semaphore(%arg8 : memref<!tpu.dma_semaphore, #tpu.memory_space<semaphore_mem>>)
      %mul3A_237 = arith.constant 512 : i32
      %mul3A_238 = arith.muli %add3A_159, %mul3A_237 : i32
      %add3A_239 = arith.constant 384 : i32
      %add3A_240 = arith.addi %mul3A_238, %add3A_239 : i32
      %dma_start3A_241 = arith.constant 384 : i32
      %dma_start3A_242 = arith.constant 0 : i32
      %dma_start3A_243 = tpu.memref_slice %arg6[%dma_start3A_241, %dma_start3A_242] : memref<512x64xf32, #tpu.memory_space<vmem>> -> memref<128x64xf32, #tpu.memory_space<vmem>>
      %dma_start3A_244 = tpu.memref_slice %arg5[%add3A_240] : memref<13312xi32, #tpu.memory_space<vmem>> -> memref<128xi32, #tpu.memory_space<vmem>>
      %dma_start3A_245 = arith.constant 0 : i32
      %dma_start3A_246 = arith.constant 0 : i32
      %dma_start3A_247 = tpu.memref_slice %arg3[%dma_start3A_245, %dma_start3A_246] : memref<2600000x64xf32, #tpu.memory_space<hbm>> -> memref<2600000x64xf32, #tpu.memory_space<hbm>>
      tpu.enqueue_indirect_dma source(%dma_start3A_247 : memref<2600000x64xf32, #tpu.memory_space<hbm>>) target(%dma_start3A_243 : memref<128x64xf32, #tpu.memory_space<vmem>>) offsets(%dma_start3A_244 : memref<128xi32, #tpu.memory_space<vmem>>) semaphore(%arg8 : memref<!tpu.dma_semaphore, #tpu.memory_space<semaphore_mem>>)
      %add3A_248 = arith.constant 1 : i32
      %add3A_249 = arith.addi %add3A_157, %add3A_248 : i32
      %dma_wait3A_250 = arith.constant 0 : i32
      %dma_wait3A_251 = arith.constant 0 : i32
      %dma_wait3A_252 = tpu.memref_slice %arg7[%dma_wait3A_250, %dma_wait3A_251] : memref<512x64xf32, #tpu.memory_space<vmem>> -> memref<128x64xf32, #tpu.memory_space<vmem>>
      %dma_wait3A_253 = arith.constant 0 : i32
      %dma_wait3A_254 = tpu.memref_slice %arg5[%dma_wait3A_253] : memref<13312xi32, #tpu.memory_space<vmem>> -> memref<128xi32, #tpu.memory_space<vmem>>
      %dma_wait3A_255 = arith.constant 0 : i32
      %dma_wait3A_256 = arith.constant 0 : i32
      %dma_wait3A_257 = tpu.memref_slice %arg3[%dma_wait3A_255, %dma_wait3A_256] : memref<2600000x64xf32, #tpu.memory_space<hbm>> -> memref<2600000x64xf32, #tpu.memory_space<hbm>>
      tpu.wait_indirect_dma semaphore(%arg9 : memref<!tpu.dma_semaphore, #tpu.memory_space<semaphore_mem>>) src(%dma_wait3A_257 : memref<2600000x64xf32, #tpu.memory_space<hbm>>) dst(%dma_wait3A_252 : memref<128x64xf32, #tpu.memory_space<vmem>>)
      %dma_wait3A_258 = arith.constant 128 : i32
      %dma_wait3A_259 = arith.constant 0 : i32
      %dma_wait3A_260 = tpu.memref_slice %arg7[%dma_wait3A_258, %dma_wait3A_259] : memref<512x64xf32, #tpu.memory_space<vmem>> -> memref<128x64xf32, #tpu.memory_space<vmem>>
      %dma_wait3A_261 = arith.constant 128 : i32
      %dma_wait3A_262 = tpu.memref_slice %arg5[%dma_wait3A_261] : memref<13312xi32, #tpu.memory_space<vmem>> -> memref<128xi32, #tpu.memory_space<vmem>>
      %dma_wait3A_263 = arith.constant 0 : i32
      %dma_wait3A_264 = arith.constant 0 : i32
      %dma_wait3A_265 = tpu.memref_slice %arg3[%dma_wait3A_263, %dma_wait3A_264] : memref<2600000x64xf32, #tpu.memory_space<hbm>> -> memref<2600000x64xf32, #tpu.memory_space<hbm>>
      tpu.wait_indirect_dma semaphore(%arg9 : memref<!tpu.dma_semaphore, #tpu.memory_space<semaphore_mem>>) src(%dma_wait3A_265 : memref<2600000x64xf32, #tpu.memory_space<hbm>>) dst(%dma_wait3A_260 : memref<128x64xf32, #tpu.memory_space<vmem>>)
      %dma_wait3A_266 = arith.constant 256 : i32
      %dma_wait3A_267 = arith.constant 0 : i32
      %dma_wait3A_268 = tpu.memref_slice %arg7[%dma_wait3A_266, %dma_wait3A_267] : memref<512x64xf32, #tpu.memory_space<vmem>> -> memref<128x64xf32, #tpu.memory_space<vmem>>
      %dma_wait3A_269 = arith.constant 256 : i32
      %dma_wait3A_270 = tpu.memref_slice %arg5[%dma_wait3A_269] : memref<13312xi32, #tpu.memory_space<vmem>> -> memref<128xi32, #tpu.memory_space<vmem>>
      %dma_wait3A_271 = arith.constant 0 : i32
      %dma_wait3A_272 = arith.constant 0 : i32
      %dma_wait3A_273 = tpu.memref_slice %arg3[%dma_wait3A_271, %dma_wait3A_272] : memref<2600000x64xf32, #tpu.memory_space<hbm>> -> memref<2600000x64xf32, #tpu.memory_space<hbm>>
      tpu.wait_indirect_dma semaphore(%arg9 : memref<!tpu.dma_semaphore, #tpu.memory_space<semaphore_mem>>) src(%dma_wait3A_273 : memref<2600000x64xf32, #tpu.memory_space<hbm>>) dst(%dma_wait3A_268 : memref<128x64xf32, #tpu.memory_space<vmem>>)
      %dma_wait3A_274 = arith.constant 384 : i32
      %dma_wait3A_275 = arith.constant 0 : i32
      %dma_wait3A_276 = tpu.memref_slice %arg7[%dma_wait3A_274, %dma_wait3A_275] : memref<512x64xf32, #tpu.memory_space<vmem>> -> memref<128x64xf32, #tpu.memory_space<vmem>>
      %dma_wait3A_277 = arith.constant 384 : i32
      %dma_wait3A_278 = tpu.memref_slice %arg5[%dma_wait3A_277] : memref<13312xi32, #tpu.memory_space<vmem>> -> memref<128xi32, #tpu.memory_space<vmem>>
      %dma_wait3A_279 = arith.constant 0 : i32
      %dma_wait3A_280 = arith.constant 0 : i32
      %dma_wait3A_281 = tpu.memref_slice %arg3[%dma_wait3A_279, %dma_wait3A_280] : memref<2600000x64xf32, #tpu.memory_space<hbm>> -> memref<2600000x64xf32, #tpu.memory_space<hbm>>
      tpu.wait_indirect_dma semaphore(%arg9 : memref<!tpu.dma_semaphore, #tpu.memory_space<semaphore_mem>>) src(%dma_wait3A_281 : memref<2600000x64xf32, #tpu.memory_space<hbm>>) dst(%dma_wait3A_276 : memref<128x64xf32, #tpu.memory_space<vmem>>)
      %sub3A_282 = arith.constant 2 : i32
      %sub3A_283 = arith.subi %add3A_249, %sub3A_282 : i32
      %mul3A_284 = arith.constant 512 : i32
      %mul3A_285 = arith.muli %sub3A_283, %mul3A_284 : i32
      %add3A_286 = arith.addi %mul3A_2, %mul3A_285 : i32
      %dma_start3A_287 = arith.constant 0 : i32
      %dma_start3A_288 = tpu.memref_slice %arg4[%add3A_286, %dma_start3A_287] : memref<425984x64xf32, #tpu.memory_space<hbm>> -> memref<512x64xf32, #tpu.memory_space<hbm>>
      %dma_start3A_289 = arith.constant 0 : i32
      %dma_start3A_290 = tpu.memref_slice %arg4[%add3A_286, %dma_start3A_289] : memref<425984x64xf32, #tpu.memory_space<hbm>> -> memref<512x64xf32, #tpu.memory_space<hbm>>
      tpu.enqueue_dma source(%arg7 : memref<512x64xf32, #tpu.memory_space<vmem>>) target(%dma_start3A_290 : memref<512x64xf32, #tpu.memory_space<hbm>>) target_semaphore(%arg11 : memref<!tpu.dma_semaphore, #tpu.memory_space<semaphore_mem>>)
      %dma_wait3A_291 = arith.constant 0 : i32
      %dma_wait3A_292 = tpu.memref_slice %arg4[%mul3A_2, %dma_wait3A_291] : memref<425984x64xf32, #tpu.memory_space<hbm>> -> memref<512x64xf32, #tpu.memory_space<hbm>>
      %dma_wait3A_293 = arith.constant 0 : i32
      %dma_wait3A_294 = tpu.memref_slice %arg4[%mul3A_2, %dma_wait3A_293] : memref<425984x64xf32, #tpu.memory_space<hbm>> -> memref<512x64xf32, #tpu.memory_space<hbm>>
      tpu.wait_dma2 semaphore(%arg11 : memref<!tpu.dma_semaphore, #tpu.memory_space<semaphore_mem>>) src(%arg7 : memref<512x64xf32, #tpu.memory_space<vmem>>) dst(%dma_wait3A_294 : memref<512x64xf32, #tpu.memory_space<hbm>>)
      %mul3A_295 = arith.constant 512 : i32
      %mul3A_296 = arith.muli %add3A_249, %mul3A_295 : i32
      %add3A_297 = arith.constant 0 : i32
      %add3A_298 = arith.addi %mul3A_296, %add3A_297 : i32
      %dma_start3A_299 = arith.constant 0 : i32
      %dma_start3A_300 = arith.constant 0 : i32
      %dma_start3A_301 = tpu.memref_slice %arg7[%dma_start3A_299, %dma_start3A_300] : memref<512x64xf32, #tpu.memory_space<vmem>> -> memref<128x64xf32, #tpu.memory_space<vmem>>
      %dma_start3A_302 = tpu.memref_slice %arg5[%add3A_298] : memref<13312xi32, #tpu.memory_space<vmem>> -> memref<128xi32, #tpu.memory_space<vmem>>
      %dma_start3A_303 = arith.constant 0 : i32
      %dma_start3A_304 = arith.constant 0 : i32
      %dma_start3A_305 = tpu.memref_slice %arg3[%dma_start3A_303, %dma_start3A_304] : memref<2600000x64xf32, #tpu.memory_space<hbm>> -> memref<2600000x64xf32, #tpu.memory_space<hbm>>
      tpu.enqueue_indirect_dma source(%dma_start3A_305 : memref<2600000x64xf32, #tpu.memory_space<hbm>>) target(%dma_start3A_301 : memref<128x64xf32, #tpu.memory_space<vmem>>) offsets(%dma_start3A_302 : memref<128xi32, #tpu.memory_space<vmem>>) semaphore(%arg9 : memref<!tpu.dma_semaphore, #tpu.memory_space<semaphore_mem>>)
      %mul3A_306 = arith.constant 512 : i32
      %mul3A_307 = arith.muli %add3A_249, %mul3A_306 : i32
      %add3A_308 = arith.constant 128 : i32
      %add3A_309 = arith.addi %mul3A_307, %add3A_308 : i32
      %dma_start3A_310 = arith.constant 128 : i32
      %dma_start3A_311 = arith.constant 0 : i32
      %dma_start3A_312 = tpu.memref_slice %arg7[%dma_start3A_310, %dma_start3A_311] : memref<512x64xf32, #tpu.memory_space<vmem>> -> memref<128x64xf32, #tpu.memory_space<vmem>>
      %dma_start3A_313 = tpu.memref_slice %arg5[%add3A_309] : memref<13312xi32, #tpu.memory_space<vmem>> -> memref<128xi32, #tpu.memory_space<vmem>>
      %dma_start3A_314 = arith.constant 0 : i32
      %dma_start3A_315 = arith.constant 0 : i32
      %dma_start3A_316 = tpu.memref_slice %arg3[%dma_start3A_314, %dma_start3A_315] : memref<2600000x64xf32, #tpu.memory_space<hbm>> -> memref<2600000x64xf32, #tpu.memory_space<hbm>>
      tpu.enqueue_indirect_dma source(%dma_start3A_316 : memref<2600000x64xf32, #tpu.memory_space<hbm>>) target(%dma_start3A_312 : memref<128x64xf32, #tpu.memory_space<vmem>>) offsets(%dma_start3A_313 : memref<128xi32, #tpu.memory_space<vmem>>) semaphore(%arg9 : memref<!tpu.dma_semaphore, #tpu.memory_space<semaphore_mem>>)
      %mul3A_317 = arith.constant 512 : i32
      %mul3A_318 = arith.muli %add3A_249, %mul3A_317 : i32
      %add3A_319 = arith.constant 256 : i32
      %add3A_320 = arith.addi %mul3A_318, %add3A_319 : i32
      %dma_start3A_321 = arith.constant 256 : i32
      %dma_start3A_322 = arith.constant 0 : i32
      %dma_start3A_323 = tpu.memref_slice %arg7[%dma_start3A_321, %dma_start3A_322] : memref<512x64xf32, #tpu.memory_space<vmem>> -> memref<128x64xf32, #tpu.memory_space<vmem>>
      %dma_start3A_324 = tpu.memref_slice %arg5[%add3A_320] : memref<13312xi32, #tpu.memory_space<vmem>> -> memref<128xi32, #tpu.memory_space<vmem>>
      %dma_start3A_325 = arith.constant 0 : i32
      %dma_start3A_326 = arith.constant 0 : i32
      %dma_start3A_327 = tpu.memref_slice %arg3[%dma_start3A_325, %dma_start3A_326] : memref<2600000x64xf32, #tpu.memory_space<hbm>> -> memref<2600000x64xf32, #tpu.memory_space<hbm>>
      tpu.enqueue_indirect_dma source(%dma_start3A_327 : memref<2600000x64xf32, #tpu.memory_space<hbm>>) target(%dma_start3A_323 : memref<128x64xf32, #tpu.memory_space<vmem>>) offsets(%dma_start3A_324 : memref<128xi32, #tpu.memory_space<vmem>>) semaphore(%arg9 : memref<!tpu.dma_semaphore, #tpu.memory_space<semaphore_mem>>)
      %mul3A_328 = arith.constant 512 : i32
      %mul3A_329 = arith.muli %add3A_249, %mul3A_328 : i32
      %add3A_330 = arith.constant 384 : i32
      %add3A_331 = arith.addi %mul3A_329, %add3A_330 : i32
      %dma_start3A_332 = arith.constant 384 : i32
      %dma_start3A_333 = arith.constant 0 : i32
      %dma_start3A_334 = tpu.memref_slice %arg7[%dma_start3A_332, %dma_start3A_333] : memref<512x64xf32, #tpu.memory_space<vmem>> -> memref<128x64xf32, #tpu.memory_space<vmem>>
      %dma_start3A_335 = tpu.memref_slice %arg5[%add3A_331] : memref<13312xi32, #tpu.memory_space<vmem>> -> memref<128xi32, #tpu.memory_space<vmem>>
      %dma_start3A_336 = arith.constant 0 : i32
      %dma_start3A_337 = arith.constant 0 : i32
      %dma_start3A_338 = tpu.memref_slice %arg3[%dma_start3A_336, %dma_start3A_337] : memref<2600000x64xf32, #tpu.memory_space<hbm>> -> memref<2600000x64xf32, #tpu.memory_space<hbm>>
      tpu.enqueue_indirect_dma source(%dma_start3A_338 : memref<2600000x64xf32, #tpu.memory_space<hbm>>) target(%dma_start3A_334 : memref<128x64xf32, #tpu.memory_space<vmem>>) offsets(%dma_start3A_335 : memref<128xi32, #tpu.memory_space<vmem>>) semaphore(%arg9 : memref<!tpu.dma_semaphore, #tpu.memory_space<semaphore_mem>>)
    }
    %scan3A_69 = arith.constant 12 : i32
    %dma_wait3A = arith.constant 0 : i32
    %dma_wait3A_70 = arith.constant 0 : i32
    %dma_wait3A_71 = tpu.memref_slice %arg6[%dma_wait3A, %dma_wait3A_70] : memref<512x64xf32, #tpu.memory_space<vmem>> -> memref<128x64xf32, #tpu.memory_space<vmem>>
    %dma_wait3A_72 = arith.constant 0 : i32
    %dma_wait3A_73 = tpu.memref_slice %arg5[%dma_wait3A_72] : memref<13312xi32, #tpu.memory_space<vmem>> -> memref<128xi32, #tpu.memory_space<vmem>>
    %dma_wait3A_74 = arith.constant 0 : i32
    %dma_wait3A_75 = arith.constant 0 : i32
    %dma_wait3A_76 = tpu.memref_slice %arg3[%dma_wait3A_74, %dma_wait3A_75] : memref<2600000x64xf32, #tpu.memory_space<hbm>> -> memref<2600000x64xf32, #tpu.memory_space<hbm>>
    tpu.wait_indirect_dma semaphore(%arg8 : memref<!tpu.dma_semaphore, #tpu.memory_space<semaphore_mem>>) src(%dma_wait3A_76 : memref<2600000x64xf32, #tpu.memory_space<hbm>>) dst(%dma_wait3A_71 : memref<128x64xf32, #tpu.memory_space<vmem>>)
    %dma_wait3A_77 = arith.constant 128 : i32
    %dma_wait3A_78 = arith.constant 0 : i32
    %dma_wait3A_79 = tpu.memref_slice %arg6[%dma_wait3A_77, %dma_wait3A_78] : memref<512x64xf32, #tpu.memory_space<vmem>> -> memref<128x64xf32, #tpu.memory_space<vmem>>
    %dma_wait3A_80 = arith.constant 128 : i32
    %dma_wait3A_81 = tpu.memref_slice %arg5[%dma_wait3A_80] : memref<13312xi32, #tpu.memory_space<vmem>> -> memref<128xi32, #tpu.memory_space<vmem>>
    %dma_wait3A_82 = arith.constant 0 : i32
    %dma_wait3A_83 = arith.constant 0 : i32
    %dma_wait3A_84 = tpu.memref_slice %arg3[%dma_wait3A_82, %dma_wait3A_83] : memref<2600000x64xf32, #tpu.memory_space<hbm>> -> memref<2600000x64xf32, #tpu.memory_space<hbm>>
    tpu.wait_indirect_dma semaphore(%arg8 : memref<!tpu.dma_semaphore, #tpu.memory_space<semaphore_mem>>) src(%dma_wait3A_84 : memref<2600000x64xf32, #tpu.memory_space<hbm>>) dst(%dma_wait3A_79 : memref<128x64xf32, #tpu.memory_space<vmem>>)
    %dma_wait3A_85 = arith.constant 256 : i32
    %dma_wait3A_86 = arith.constant 0 : i32
    %dma_wait3A_87 = tpu.memref_slice %arg6[%dma_wait3A_85, %dma_wait3A_86] : memref<512x64xf32, #tpu.memory_space<vmem>> -> memref<128x64xf32, #tpu.memory_space<vmem>>
    %dma_wait3A_88 = arith.constant 256 : i32
    %dma_wait3A_89 = tpu.memref_slice %arg5[%dma_wait3A_88] : memref<13312xi32, #tpu.memory_space<vmem>> -> memref<128xi32, #tpu.memory_space<vmem>>
    %dma_wait3A_90 = arith.constant 0 : i32
    %dma_wait3A_91 = arith.constant 0 : i32
    %dma_wait3A_92 = tpu.memref_slice %arg3[%dma_wait3A_90, %dma_wait3A_91] : memref<2600000x64xf32, #tpu.memory_space<hbm>> -> memref<2600000x64xf32, #tpu.memory_space<hbm>>
    tpu.wait_indirect_dma semaphore(%arg8 : memref<!tpu.dma_semaphore, #tpu.memory_space<semaphore_mem>>) src(%dma_wait3A_92 : memref<2600000x64xf32, #tpu.memory_space<hbm>>) dst(%dma_wait3A_87 : memref<128x64xf32, #tpu.memory_space<vmem>>)
    %dma_wait3A_93 = arith.constant 384 : i32
    %dma_wait3A_94 = arith.constant 0 : i32
    %dma_wait3A_95 = tpu.memref_slice %arg6[%dma_wait3A_93, %dma_wait3A_94] : memref<512x64xf32, #tpu.memory_space<vmem>> -> memref<128x64xf32, #tpu.memory_space<vmem>>
    %dma_wait3A_96 = arith.constant 384 : i32
    %dma_wait3A_97 = tpu.memref_slice %arg5[%dma_wait3A_96] : memref<13312xi32, #tpu.memory_space<vmem>> -> memref<128xi32, #tpu.memory_space<vmem>>
    %dma_wait3A_98 = arith.constant 0 : i32
    %dma_wait3A_99 = arith.constant 0 : i32
    %dma_wait3A_100 = tpu.memref_slice %arg3[%dma_wait3A_98, %dma_wait3A_99] : memref<2600000x64xf32, #tpu.memory_space<hbm>> -> memref<2600000x64xf32, #tpu.memory_space<hbm>>
    tpu.wait_indirect_dma semaphore(%arg8 : memref<!tpu.dma_semaphore, #tpu.memory_space<semaphore_mem>>) src(%dma_wait3A_100 : memref<2600000x64xf32, #tpu.memory_space<hbm>>) dst(%dma_wait3A_95 : memref<128x64xf32, #tpu.memory_space<vmem>>)
    %add3A_101 = arith.constant 12288 : i32
    %add3A_102 = arith.addi %mul3A_2, %add3A_101 : i32
    %dma_start3A_103 = arith.constant 0 : i32
    %dma_start3A_104 = tpu.memref_slice %arg4[%add3A_102, %dma_start3A_103] : memref<425984x64xf32, #tpu.memory_space<hbm>> -> memref<512x64xf32, #tpu.memory_space<hbm>>
    %dma_start3A_105 = arith.constant 0 : i32
    %dma_start3A_106 = tpu.memref_slice %arg4[%add3A_102, %dma_start3A_105] : memref<425984x64xf32, #tpu.memory_space<hbm>> -> memref<512x64xf32, #tpu.memory_space<hbm>>
    tpu.enqueue_dma source(%arg6 : memref<512x64xf32, #tpu.memory_space<vmem>>) target(%dma_start3A_106 : memref<512x64xf32, #tpu.memory_space<hbm>>) target_semaphore(%arg10 : memref<!tpu.dma_semaphore, #tpu.memory_space<semaphore_mem>>)
    %dma_wait3A_107 = arith.constant 0 : i32
    %dma_wait3A_108 = arith.constant 0 : i32
    %dma_wait3A_109 = tpu.memref_slice %arg7[%dma_wait3A_107, %dma_wait3A_108] : memref<512x64xf32, #tpu.memory_space<vmem>> -> memref<128x64xf32, #tpu.memory_space<vmem>>
    %dma_wait3A_110 = arith.constant 0 : i32
    %dma_wait3A_111 = tpu.memref_slice %arg5[%dma_wait3A_110] : memref<13312xi32, #tpu.memory_space<vmem>> -> memref<128xi32, #tpu.memory_space<vmem>>
    %dma_wait3A_112 = arith.constant 0 : i32
    %dma_wait3A_113 = arith.constant 0 : i32
    %dma_wait3A_114 = tpu.memref_slice %arg3[%dma_wait3A_112, %dma_wait3A_113] : memref<2600000x64xf32, #tpu.memory_space<hbm>> -> memref<2600000x64xf32, #tpu.memory_space<hbm>>
    tpu.wait_indirect_dma semaphore(%arg9 : memref<!tpu.dma_semaphore, #tpu.memory_space<semaphore_mem>>) src(%dma_wait3A_114 : memref<2600000x64xf32, #tpu.memory_space<hbm>>) dst(%dma_wait3A_109 : memref<128x64xf32, #tpu.memory_space<vmem>>)
    %dma_wait3A_115 = arith.constant 128 : i32
    %dma_wait3A_116 = arith.constant 0 : i32
    %dma_wait3A_117 = tpu.memref_slice %arg7[%dma_wait3A_115, %dma_wait3A_116] : memref<512x64xf32, #tpu.memory_space<vmem>> -> memref<128x64xf32, #tpu.memory_space<vmem>>
    %dma_wait3A_118 = arith.constant 128 : i32
    %dma_wait3A_119 = tpu.memref_slice %arg5[%dma_wait3A_118] : memref<13312xi32, #tpu.memory_space<vmem>> -> memref<128xi32, #tpu.memory_space<vmem>>
    %dma_wait3A_120 = arith.constant 0 : i32
    %dma_wait3A_121 = arith.constant 0 : i32
    %dma_wait3A_122 = tpu.memref_slice %arg3[%dma_wait3A_120, %dma_wait3A_121] : memref<2600000x64xf32, #tpu.memory_space<hbm>> -> memref<2600000x64xf32, #tpu.memory_space<hbm>>
    tpu.wait_indirect_dma semaphore(%arg9 : memref<!tpu.dma_semaphore, #tpu.memory_space<semaphore_mem>>) src(%dma_wait3A_122 : memref<2600000x64xf32, #tpu.memory_space<hbm>>) dst(%dma_wait3A_117 : memref<128x64xf32, #tpu.memory_space<vmem>>)
    %dma_wait3A_123 = arith.constant 256 : i32
    %dma_wait3A_124 = arith.constant 0 : i32
    %dma_wait3A_125 = tpu.memref_slice %arg7[%dma_wait3A_123, %dma_wait3A_124] : memref<512x64xf32, #tpu.memory_space<vmem>> -> memref<128x64xf32, #tpu.memory_space<vmem>>
    %dma_wait3A_126 = arith.constant 256 : i32
    %dma_wait3A_127 = tpu.memref_slice %arg5[%dma_wait3A_126] : memref<13312xi32, #tpu.memory_space<vmem>> -> memref<128xi32, #tpu.memory_space<vmem>>
    %dma_wait3A_128 = arith.constant 0 : i32
    %dma_wait3A_129 = arith.constant 0 : i32
    %dma_wait3A_130 = tpu.memref_slice %arg3[%dma_wait3A_128, %dma_wait3A_129] : memref<2600000x64xf32, #tpu.memory_space<hbm>> -> memref<2600000x64xf32, #tpu.memory_space<hbm>>
    tpu.wait_indirect_dma semaphore(%arg9 : memref<!tpu.dma_semaphore, #tpu.memory_space<semaphore_mem>>) src(%dma_wait3A_130 : memref<2600000x64xf32, #tpu.memory_space<hbm>>) dst(%dma_wait3A_125 : memref<128x64xf32, #tpu.memory_space<vmem>>)
    %dma_wait3A_131 = arith.constant 384 : i32
    %dma_wait3A_132 = arith.constant 0 : i32
    %dma_wait3A_133 = tpu.memref_slice %arg7[%dma_wait3A_131, %dma_wait3A_132] : memref<512x64xf32, #tpu.memory_space<vmem>> -> memref<128x64xf32, #tpu.memory_space<vmem>>
    %dma_wait3A_134 = arith.constant 384 : i32
    %dma_wait3A_135 = tpu.memref_slice %arg5[%dma_wait3A_134] : memref<13312xi32, #tpu.memory_space<vmem>> -> memref<128xi32, #tpu.memory_space<vmem>>
    %dma_wait3A_136 = arith.constant 0 : i32
    %dma_wait3A_137 = arith.constant 0 : i32
    %dma_wait3A_138 = tpu.memref_slice %arg3[%dma_wait3A_136, %dma_wait3A_137] : memref<2600000x64xf32, #tpu.memory_space<hbm>> -> memref<2600000x64xf32, #tpu.memory_space<hbm>>
    tpu.wait_indirect_dma semaphore(%arg9 : memref<!tpu.dma_semaphore, #tpu.memory_space<semaphore_mem>>) src(%dma_wait3A_138 : memref<2600000x64xf32, #tpu.memory_space<hbm>>) dst(%dma_wait3A_133 : memref<128x64xf32, #tpu.memory_space<vmem>>)
    %add3A_139 = arith.constant 12800 : i32
    %add3A_140 = arith.addi %mul3A_2, %add3A_139 : i32
    %dma_start3A_141 = arith.constant 0 : i32
    %dma_start3A_142 = tpu.memref_slice %arg4[%add3A_140, %dma_start3A_141] : memref<425984x64xf32, #tpu.memory_space<hbm>> -> memref<512x64xf32, #tpu.memory_space<hbm>>
    %dma_start3A_143 = arith.constant 0 : i32
    %dma_start3A_144 = tpu.memref_slice %arg4[%add3A_140, %dma_start3A_143] : memref<425984x64xf32, #tpu.memory_space<hbm>> -> memref<512x64xf32, #tpu.memory_space<hbm>>
    tpu.enqueue_dma source(%arg7 : memref<512x64xf32, #tpu.memory_space<vmem>>) target(%dma_start3A_144 : memref<512x64xf32, #tpu.memory_space<hbm>>) target_semaphore(%arg11 : memref<!tpu.dma_semaphore, #tpu.memory_space<semaphore_mem>>)
    %dma_wait3A_145 = arith.constant 0 : i32
    %dma_wait3A_146 = tpu.memref_slice %arg4[%mul3A_2, %dma_wait3A_145] : memref<425984x64xf32, #tpu.memory_space<hbm>> -> memref<512x64xf32, #tpu.memory_space<hbm>>
    %dma_wait3A_147 = arith.constant 0 : i32
    %dma_wait3A_148 = tpu.memref_slice %arg4[%mul3A_2, %dma_wait3A_147] : memref<425984x64xf32, #tpu.memory_space<hbm>> -> memref<512x64xf32, #tpu.memory_space<hbm>>
    tpu.wait_dma2 semaphore(%arg10 : memref<!tpu.dma_semaphore, #tpu.memory_space<semaphore_mem>>) src(%arg6 : memref<512x64xf32, #tpu.memory_space<vmem>>) dst(%dma_wait3A_148 : memref<512x64xf32, #tpu.memory_space<hbm>>)
    %dma_wait3A_149 = arith.constant 0 : i32
    %dma_wait3A_150 = tpu.memref_slice %arg4[%mul3A_2, %dma_wait3A_149] : memref<425984x64xf32, #tpu.memory_space<hbm>> -> memref<512x64xf32, #tpu.memory_space<hbm>>
    %dma_wait3A_151 = arith.constant 0 : i32
    %dma_wait3A_152 = tpu.memref_slice %arg4[%mul3A_2, %dma_wait3A_151] : memref<425984x64xf32, #tpu.memory_space<hbm>> -> memref<512x64xf32, #tpu.memory_space<hbm>>
    tpu.wait_dma2 semaphore(%arg11 : memref<!tpu.dma_semaphore, #tpu.memory_space<semaphore_mem>>) src(%arg7 : memref<512x64xf32, #tpu.memory_space<vmem>>) dst(%dma_wait3A_152 : memref<512x64xf32, #tpu.memory_space<hbm>>)
    return
  }
}

</mosaic_0001>

<sc_bundles>
// kernel: kernel.3.cloned.1.call-start
scs
__scs_entry_jumppad:
0x0: {  	(pc) =	sbr.rel $0x88, $3  }
0x1: {  	(tag) =	ssettag $0x0;
	lr =	simm.s32 $0x1  }
0x2: {  	[smem:$0x3F9F] =	sst lr;
	_ =	strace $0xD0000000  }
0x3: {  	_ = 	snop  }
0x4: {  	_ = 	snop  }
0x5: {  	_ = 	snop  }
0x6: {  	_ = 	snop  }
0x7: {  	_ = 	snop  }
__scs_overlays_trampoline_lowered:
0x8: {  	[smem:$0x3FAE] =	sst s0  }
0x9: {  	[smem:$0x3FAF] =	sst s1  }
0xa: {  	[smem:$0x3FB0] =	sst s2  }
0xb: {  	[smem:$0x3FB1] =	sst s3  }
0xc: {  	[smem:$0x3FB2] =	sst s4  }
0xd: {  	[smem:$0x3FB3] =	sst s5  }
0xe: {  	[smem:$0x3FB4] =	sst s6  }
0xf: {  	[smem:$0x3FB5] =	sst s7  }
0x10: {  	[smem:$0x3FB6] =	sst s8  }
0x11: {  	[smem:$0x3FB7] =	sst s9;
	s0 =	simm.s32 @!p0 $0x0  }
0x12: {  	s1 =	sld [smem:$0x3F9D];
	s0 =	simm.s32 @p0 $0x1  }
0x13: {  	[smem:$0x3FB8] =	sst s0;
	s0 =	simm.s32 @!p1 $0x0  }
0x14: {  	s2 =	sld [smem:$0x3F9C];
	s0 =	simm.s32 @p1 $0x1  }
0x15: {  	[smem:$0x3FB9] =	sst s0;
	s0 =	simm.s32 @!p2 $0x0  }
0x16: {  	s3 =	sld [smem:$0x3FDB];
	s0 =	simm.s32 @p2 $0x1  }
0x17: {  	s4 =	simm.s32 $0x1BF5;
	[smem:$0x3FBB] =	sst s0  }
0x18: {  	s0 =	sld [smem:$0x3F9E];
	_ =	swait.ge [sflag:s4], $0x0  }
0x19: {  	s7 =	sld [smem:$0x3F9F]  }
0x1a: {  	s8 =	sadd.s32 $0xFFFFE003, lr  }
0x1b: {  	s9 =	sadd.s32 $0xFFFFFEF7, lr;
	s5 =	simm.s32 $0xFFFFFFFF;
	p2 =	slt.u32 s8, $0xFFFFF086  }
0x1c: {  	p1 =	slt.u32 s9, $0xF7A;
	s5 =	simm.s32 @!p2 $0x0  }
0x1d: {  	s5 =	simm.s32 @p1 $0x1;
	p0 =	seq.s32 s7, s2  }
0x1e: {  	s7 =	smul.u32 @!p0 $0xF7A, s2;
	p2 =	seq.s32 @!p0 s5, $0x0  }
0x1f: {  	s9 =	smul.u32 $0xF7A, s1;
	s8 =	simm.s32 @!p0 $0x1BF5;
	p2 =	por !p2, p0  }
0x20: {  	[sflag:s8] =	ssyncset.s32 @!p0 $0xFFFFF086;
	s6 =	sadd.s32 @!p0 s3, s7;
	s7 =	simm.s32 @!p0 $0x108  }
0x21: {  	s3 =	sadd.s32 s3, s9;
	s6 =	sadd.s32 @!p0 $0x88, s6;
	s7 =	simm.s32 @p2 $0x1082  }
0x22: {  	[simem:s7], [sflag:s8] =	dma.local @!p0 [hbm:s6], $0xF7A  }
0x23: {  	s9 =	sor.u32 $0xD0000000, s2;
	s6 =	simm.s32 $0x108;
	_ =	swait.ge @!p0 [sflag:s8], $0x0  }
0x24: {  	s3 =	sadd.s32 $0x88, s3;
	s6 =	simm.s32 @!p1 $0x1082;
	[sflag:s4] =	ssyncset.s32 $0xFFFFF086  }
0x25: {  	[simem:s6], [sflag:s4] =	dma.local [hbm:s3], $0xF7A  }
0x26: {  	[smem:$0x3F9F] =	sst s1;
	(tag) =	ssettag s2;
	_ =	strace s9  }
0x27: {  	s1 =	sld [smem:$0x3FAF]  }
0x28: {  	s2 =	sld [smem:$0x3FB0]  }
0x29: {  	s4 =	sld [smem:$0x3FB2]  }
0x2a: {  	p0 =	seq.s32 s5, $0x0;
	s5 =	sld [smem:$0x3FB3]  }
0x2b: {  	s6 =	sld [smem:$0x3FB4]  }
0x2c: {  	s7 =	sld [smem:$0x3FB5]  }
0x2d: {  	s3 =	simm.s32 $0x108;
	s8 =	sld [smem:$0x3FB6]  }
0x2e: {  	s3 =	simm.s32 @!p0 $0x1082;
	s9 =	sld [smem:$0x3FB7]  }
0x2f: {  	lr =	sadd.s32 s0, s3;
	s0 =	sld [smem:$0x3FAE]  }
0x30: {  	s3 =	sld [smem:$0x3FB1]  }
0x31: {  	[smem:$0x3FBA] =	sst s10  }
0x32: {  	s10 =	sld [smem:$0x3FB8];
	_ =	sdelay $0x3  }
0x33: {  	p0 =	seq.s32 s10, $0x1;
	s10 =	sld [smem:$0x3FBA];
	_ =	sdelay $0x3  }
0x34: {  	[smem:$0x3FBA] =	sst s10  }
0x35: {  	s10 =	sld [smem:$0x3FB9];
	_ =	sdelay $0x3  }
0x36: {  	p1 =	seq.s32 s10, $0x1;
	s10 =	sld [smem:$0x3FBA];
	_ =	sdelay $0x3  }
0x37: {  	[smem:$0x3FBA] =	sst s10  }
0x38: {  	s10 =	sld [smem:$0x3FBB]  }
0x39: {  	_ = 	snop;
	(pc) =	sbr.ind lr, $3  }
0x3a: {  	_ = 	snop  }
0x3b: {  	_ = 	snop  }
0x3c: {  	p2 =	seq.s32 s10, $0x1;
	s10 =	sld [smem:$0x3FBA]  }
0x3d: {  	_ =	shalt  }
0x3e: {  	_ =	shalt  }
0x3f: {  	_ =	shalt  }
0x40: {  	_ =	shalt  }
0x41: {  	_ =	shalt  }
0x42: {  	_ =	shalt  }
0x43: {  	_ =	shalt  }
0x44: {  	_ =	shalt  }
0x45: {  	_ =	shalt  }
0x46: {  	_ =	shalt  }
0x47: {  	_ =	shalt  }
0x48: {  	_ =	shalt  }
0x49: {  	_ =	shalt  }
0x4a: {  	_ =	shalt  }
0x4b: {  	_ =	shalt  }
0x4c: {  	_ =	shalt  }
0x4d: {  	_ =	shalt  }
0x4e: {  	_ =	shalt  }
0x4f: {  	_ =	shalt  }
0x50: {  	_ =	shalt  }
0x51: {  	_ =	shalt  }
0x52: {  	_ =	shalt  }
0x53: {  	_ =	shalt  }
0x54: {  	_ =	shalt  }
0x55: {  	_ =	shalt  }
0x56: {  	_ =	shalt  }
0x57: {  	_ =	shalt  }
0x58: {  	_ =	shalt  }
0x59: {  	_ =	shalt  }
0x5a: {  	_ =	shalt  }
0x5b: {  	_ =	shalt  }
0x5c: {  	_ =	shalt  }
0x5d: {  	_ =	shalt  }
0x5e: {  	_ =	shalt  }
0x5f: {  	_ =	shalt  }
0x60: {  	_ =	shalt  }
0x61: {  	_ =	shalt  }
0x62: {  	_ =	shalt  }
0x63: {  	_ =	shalt  }
0x64: {  	_ =	shalt  }
0x65: {  	_ =	shalt  }
0x66: {  	_ =	shalt  }
0x67: {  	_ =	shalt  }
0x68: {  	_ =	shalt  }
0x69: {  	_ =	shalt  }
0x6a: {  	_ =	shalt  }
0x6b: {  	_ =	shalt  }
0x6c: {  	_ =	shalt  }
0x6d: {  	_ =	shalt  }
0x6e: {  	_ =	shalt  }
0x6f: {  	_ =	shalt  }
0x70: {  	_ =	shalt  }
0x71: {  	_ =	shalt  }
0x72: {  	_ =	shalt  }
0x73: {  	_ =	shalt  }
0x74: {  	_ =	shalt  }
0x75: {  	_ =	shalt  }
0x76: {  	_ =	shalt  }
0x77: {  	_ =	shalt  }
0x78: {  	_ =	shalt  }
0x79: {  	_ =	shalt  }
0x7a: {  	_ =	shalt  }
0x7b: {  	_ =	shalt  }
0x7c: {  	_ =	shalt  }
0x7d: {  	_ =	shalt  }
0x7e: {  	_ =	shalt  }
0x7f: {  	_ =	shalt  }
0x80: {  	_ =	shalt  }
0x81: {  	_ =	shalt  }
0x82: {  	_ =	shalt  }
0x83: {  	_ =	shalt  }
0x84: {  	_ =	shalt  }
0x85: {  	_ =	shalt  }
0x86: {  	_ =	shalt  }
0x87: {  	_ =	shalt  }
.Lfunc_end0:
.L_simem_size_0:
called_computation.1_lowered:
.L_overlay_start_0:
0x88: {  	s2 =	sld [smem:$0x3FD9]  }
0x89: {  	s3 =	sld [smem:$0x3FFE];
	_ =	sdelay $0x1  }
0x8a: {  	s1 =	srdreg.scid  }
0x8b: {  	s0 =	sand.u32 $0x1, s1  }
0x8c: {  	s17 =	sshll.u32 s0, $0xA;
	s2 =	sadd.s32 s3, s2  }
0x8d: {  	s2 =	sadd.s32 s2, s17  }
0x8e: {  	[smem:$0x3FC6] =	sst s2  }
0x8f: {  	_ = 	snop  }
0x90: {  	s2 =	sld [smem:$0x3FD0];
	(tm) =	ssettm $0x1  }
0x91: {  	s18 =	sld [smem:$0x3FFB];
	_ =	sdelay $0x3  }
0x92: {  	_ =	strace s18  }
0x93: {  	s3 =	sld [smem:$0x3FFC];
	_ =	sdelay $0x3  }
0x94: {  	_ =	strace s3  }
0x95: {  	s3 =	sld [smem:$0x3FFD];
	_ =	sdelay $0x3  }
0x96: {  	_ =	strace s3  }
0x97: {  	_ =	strace $0x8FFFFFFF  }
0x98: {  	s19 =	sld [smem:$0x3FDB];
	_ =	sdelay $0x1  }
0x99: {  	s4 =	simm.s32 $_scs_section_size  }
0x9a: {  	s5 =	simm.s32 $_size__tile_overlayer_lowered;
	s6 =	simm.s32 $_tile_overlayer_lowered  }
0x9b: {  	s22 =	simm.s32 $0x1BFF;
	s21 =	sshll.u32 s6, $0x1;
	s3 =	sadd.s32 s4, s19  }
0x9c: {  	s7 =	simm.s32 $0x0;
	s20 =	sshll.u32 s5, $0x1;
	s5 =	sadd.s32 s21, s3  }
0x9d: {  	[timem:s7], [sflag:s22] =	dma.local [hbm:s5], s20  }
0x9e: {  	_ =	swait.ge [sflag:s22], s20  }
0x9f: {  	s4 =	ssub.s32 $0x0, s20;
	[sflag:s22] =	ssyncset.done $0x0  }
0xa0: {  	[sflag:s22] =	ssyncadd.s32 s4;
	_ =	sdelay $0x1  }
0xa1: {  	s23 =	simm.s32 $0x1B8B  }
0xa2: {  	_ =	swait.ge [sflag:s23], $0x1  }
0xa3: {  	[sflag:s23] =	ssyncset.done $0x0  }
0xa4: {  	s25 =	simm.s32 $0x1B8E;
	s24 =	sld [smem:$0x3FFE];
	[sflag:s23] =	ssyncadd.s32 $0xFFFFFFFF  }
0xa5: {  	s26 =	simm.s32 $execute0_lowered;
	[smem:$0x3FD2] =	sst s25  }
0xa6: {  	s5 =	sshll.u32 s26, $0x1;
	_ =	strace $0x80000046;
	[dreg:$0x1] =	wrdreg $0xFFFFFFFF  }
0xa7: {  	s28 =	simm.s32 $_size_execute0_lowered;
	s3 =	sadd.s32 s3, s5;
	[dreg:$0x0] =	wrdreg $0x0  }
0xa8: {  	s5 =	sshll.u32 s28, $0x1;
	[dreg:$0x2] =	wrdreg s3  }
0xa9: {  	[dreg:$0x3] =	wrdreg s5  }
0xaa: {  	[dreg:$0x4] =	wrdreg $0xC0  }
0xab: {  	_ =	task [dreg:s7], $0x5FFFF  }
0xac: {  	[dreg:$0x1] =	wrdreg $0xFFFFFFFF  }
0xad: {  	[dreg:$0x0] =	wrdreg $0x60  }
0xae: {  	[dreg:$0x2] =	wrdreg s24  }
0xaf: {  	[dreg:$0x3] =	wrdreg s2  }
0xb0: {  	[dreg:$0x4] =	wrdreg $0x9  }
0xb1: {  	_ =	task.clear_ibuf [dreg:s7], $0x5FFFF;
	_ =	strace $0x90000046  }
0xb2: {  	s29 =	simm.s32 $0x9;
	_ =	strace $0x80000048  }
0xb3: {  	_ =	swait.ge [sflag:s29], $0x1  }
0xb4: {  	[sflag:s29] =	ssyncadd.s32 $0xFFFFFFFF  }
0xb5: {  	_ =	strace $0x90000048  }
0xb6: {  	_ =	sfence  }
0xb7: {  	s30 =	sld [smem:$0x0];
	_ =	sdelay $0x2  }
0xb8: {  	s31 =	sshll.u32 s1, $0xD;
	s1 =	sshrl.u32 s1, $0x2  }
0xb9: {  	s3 =	sand.u32 $0x4000, s31;
	s1 =	sadd.s32 s1, s30  }
0xba: {  	s0 =	sor.u32 s3, s0;
	s1 =	sshll.u32 s1, $0x11  }
0xbb: {  	s0 =	sor.u32 s1, s0  }
0xbc: {  	s0 =	sadd.s32 $0x8F2B, s0  }
0xbd: {  	[sflag:s0] =	ssyncadd.remote.s32 $0x1  }
0xbe: {  	_ =	sfence.sel $0xFFFF  }
0xbf: {  	[dreg:$0x0] =	wrdreg $0xFFFFFFFF;
	(pc) =	sbr.abs _section_cstart, $3  }
0xc0: {  	[dreg:$0x1] =	wrdreg $0xFFFFFFFF  }
0xc1: {  	_ =	task.clear_ibuf [dreg:s7], $0x2FFFF;
	_ =	strace $0x9FFFFFFF  }
0xc2: {  	(tm) =	ssettm $0x7FFFFFFF  }
0xc3: {  	_ =	shalt  }
tec
execute0_lowered:
.L_overlay_start_1:
0x0: {  	(tag) =	ssettag $0x1  }
0x1: {  	s0 =	srdreg.scid;
	s1 =	rddreg [dreg:$0x0]  }
0x2: {  	s9 =	stileid.u32;
	s8 =	rddreg [dreg:$0x1];
	s11 =	simm.s32 $0x80  }
0x3: {  	s12 =	simm.s32 $0x3400;
	s13 =	simm.s32 $0x5400;
	s15 =	simm.s32 $0x7400  }
0x4: {  	s17 =	simm.s32 $0x9400;
	s19 =	simm.s32 $0xB400;
	s20 =	simm.s32 $0x280  }
0x5: {  	s21 =	simm.s32 $0xD400;
	s22 =	simm.s32 $0x300;
	s23 =	simm.s32 $0xF400  }
0x6: {  	s28 =	simm.s32 $0x3;
	s29 =	simm.s32 $0x2;
	s6 =	smul.u32 $0x1A0000, s9  }
0x7: {  	s0 =	sand.u32 $0x1, s0;
	s2 =	sshll.u32 s9, $0x1;
	s9 =	smul.u32 $0x6800, s9  }
0x8: {  	s30 =	simm.s32 $0x4;
	s3 =	sor.u32 s0, s2;
	s10 =	smul.u32 $0x3400, s0  }
0x9: {  	s2 =	simm.s32 $0x0;
	s7 =	ssub.s32 $0x2, s0;
	s0 =	smul.u32 $0xD0000, s0  }
0xa: {  	s31 =	simm.s32 $0x0;
	s4 =	smul.u32 $0x3400, s3;
	[smem:$0x7FF] =	sst s2  }
0xb: {  	s5 =	smul.u32 $0xD0000, s3;
	s3 =	sadd.s32 $0x27AD000, s1;
	s25 =	sshrl.u32 s7, $0x1  }
0xc: {  	_ =	strace $0x80000047;
	s9 =	sadd.s32 s10, s9;
	s0 =	sadd.s32 s0, s6  }
0xd: {  	s10 =	simm.s32 $0x5;
	s24 =	sshrl.u32 s4, $0x3;
	s5 =	sshrl.u32 s5, $0x3  }
0xe: {  	s9 =	sshll.u32 s9, $0x3;
	s0 =	sshrl.u32 s0, $0x3;
	s4 =	sadd.s32 s24, s1  }
0xf: {  	s1 =	ssub.s32 s7, s25;
	s26 =	sadd.s32 s8, s5;
	s9 =	sadd.s32 s9, s8  }
0x10: {  	s8 =	sadd.s32 s0, s8;
	s24 =	simm.s32 $0x380;
	s25 =	simm.s32 $0x11400  }
0x11: {  	s4 =	sadd.s32 $0xC00, s4;
	s5 =	sadd.s32 $0x18000, s26;
	s6 =	sadd.s32 $0x19000, s26  }
0x12: {  	s7 =	smax.u32 s1, $0x1;
	s9 =	sadd.s32 $0x1000, s9;
	s26 =	simm.s32 $0x1  }
.LBB2_1:
0x13: {  	[tilespmem:s2], [sflag:$0x5] =	stream.linear.gather [hbm4b:s4+s2], $0x3400, $0x38;
	[tilespmem:$0x13400] =	vst v63  }
0x14: {  	_ =	swait.ge [sflag:s10], $0x3400  }
0x15: {  	[sflag:s10] =	ssyncset.done $0x0  }
0x16: {  	[sflag:s10] =	ssyncadd.s32 $0xFFFFCC00  }
0x17: {  	[tilespmem:s12], [sflag:$0x1] =	stream.indirect.gather [hbm4b:s3+s11], $0x40, s2, s11, $0xb8;
	[tilespmem:$0x13400] =	vst v63  }
0x18: {  	_ = 	snop  }
0x19: {  	[tilespmem:s13], [sflag:$0x1] =	stream.indirect.gather [hbm4b:s3+s11], $0x40, s11, s11, $0xb8;
	[tilespmem:$0x13400] =	vst v63  }
0x1a: {  	s0 =	simm.s32 $0x100  }
0x1b: {  	[tilespmem:s15], [sflag:$0x1] =	stream.indirect.gather [hbm4b:s3+s11], $0x40, s0, s11, $0xb8;
	[tilespmem:$0x13400] =	vst v63  }
0x1c: {  	s18 =	simm.s32 $0x180  }
0x1d: {  	[tilespmem:s17], [sflag:$0x1] =	stream.indirect.gather [hbm4b:s3+s11], $0x40, s18, s11, $0xb8;
	[tilespmem:$0x13400] =	vst v63  }
0x1e: {  	s1 =	simm.s32 $0x200  }
0x1f: {  	[tilespmem:s19], [sflag:$0x2] =	stream.indirect.gather [hbm4b:s3+s11], $0x40, s1, s11, $0xb8;
	[tilespmem:$0x13400] =	vst v63  }
0x20: {  	_ = 	snop  }
0x21: {  	[tilespmem:s21], [sflag:$0x2] =	stream.indirect.gather [hbm4b:s3+s11], $0x40, s20, s11, $0xb8;
	[tilespmem:$0x13400] =	vst v63  }
0x22: {  	_ = 	snop  }
0x23: {  	[tilespmem:s23], [sflag:$0x2] =	stream.indirect.gather [hbm4b:s3+s11], $0x40, s22, s11, $0xb8;
	[tilespmem:$0x13400] =	vst v63  }
0x24: {  	_ = 	snop  }
0x25: {  	[tilespmem:s25], [sflag:$0x2] =	stream.indirect.gather [hbm4b:s3+s11], $0x40, s24, s11, $0xb8;
	[tilespmem:$0x13400] =	vst v63  }
0x26: {  	_ =	swait.ge [sflag:s26], $0x2000  }
0x27: {  	[sflag:s26] =	ssyncset.done $0x0  }
0x28: {  	[sflag:s26] =	ssyncadd.s32 $0xFFFFE000  }
0x29: {  	_ =	swait.ge [sflag:s26], $0x2000  }
0x2a: {  	[sflag:s26] =	ssyncset.done $0x0  }
0x2b: {  	[sflag:s26] =	ssyncadd.s32 $0xFFFFE000  }
0x2c: {  	_ =	swait.ge [sflag:s26], $0x2000  }
0x2d: {  	[sflag:s26] =	ssyncset.done $0x0  }
0x2e: {  	[sflag:s26] =	ssyncadd.s32 $0xFFFFE000  }
0x2f: {  	_ =	swait.ge [sflag:s26], $0x2000  }
0x30: {  	[sflag:s26] =	ssyncset.done $0x0  }
0x31: {  	[sflag:s26] =	ssyncadd.s32 $0xFFFFE000  }
0x32: {  	[hbm4b:s8+s2] =	stream.linear.scatter [tilespmem:s12], [sflag:$0x3], $0x8000, $0x38;
	[tilespmem:$0x13400] =	vst v63  }
0x33: {  	_ =	swait.ge [sflag:s28], $0x8000  }
0x34: {  	[sflag:s28] =	ssyncset.done $0x0  }
0x35: {  	s14 =	simm.s32 $0x400;
	[sflag:s28] =	ssyncadd.s32 $0xFFFF8000  }
0x36: {  	[tilespmem:s12], [sflag:$0x1] =	stream.indirect.gather [hbm4b:s3+s11], $0x40, s14, s11, $0xb8;
	[tilespmem:$0x13400] =	vst v63  }
0x37: {  	s16 =	simm.s32 $0x480  }
0x38: {  	[tilespmem:s13], [sflag:$0x1] =	stream.indirect.gather [hbm4b:s3+s11], $0x40, s16, s11, $0xb8;
	[tilespmem:$0x13400] =	vst v63  }
0x39: {  	s18 =	simm.s32 $0x500  }
0x3a: {  	[tilespmem:s15], [sflag:$0x1] =	stream.indirect.gather [hbm4b:s3+s11], $0x40, s18, s11, $0xb8;
	[tilespmem:$0x13400] =	vst v63  }
0x3b: {  	s1 =	simm.s32 $0x580  }
0x3c: {  	[tilespmem:s17], [sflag:$0x1] =	stream.indirect.gather [hbm4b:s3+s11], $0x40, s1, s11, $0xb8;
	[tilespmem:$0x13400] =	vst v63  }
0x3d: {  	_ =	swait.ge [sflag:s29], $0x2000  }
0x3e: {  	[sflag:s29] =	ssyncset.done $0x0  }
0x3f: {  	[sflag:s29] =	ssyncadd.s32 $0xFFFFE000  }
0x40: {  	_ =	swait.ge [sflag:s29], $0x2000  }
0x41: {  	[sflag:s29] =	ssyncset.done $0x0  }
0x42: {  	[sflag:s29] =	ssyncadd.s32 $0xFFFFE000  }
0x43: {  	_ =	swait.ge [sflag:s29], $0x2000  }
0x44: {  	[sflag:s29] =	ssyncset.done $0x0  }
0x45: {  	[sflag:s29] =	ssyncadd.s32 $0xFFFFE000  }
0x46: {  	_ =	swait.ge [sflag:s29], $0x2000  }
0x47: {  	[sflag:s29] =	ssyncset.done $0x0  }
0x48: {  	[sflag:s29] =	ssyncadd.s32 $0xFFFFE000  }
0x49: {  	[hbm4b:s9+s2] =	stream.linear.scatter [tilespmem:s19], [sflag:$0x4], $0x8000, $0x38;
	[tilespmem:$0x13400] =	vst v63  }
0x4a: {  	_ =	swait.ge [sflag:s30], $0x8000  }
0x4b: {  	[sflag:s30] =	ssyncset.done $0x0  }
0x4c: {  	s14 =	simm.s32 $0x600;
	[sflag:s30] =	ssyncadd.s32 $0xFFFF8000  }
0x4d: {  	[tilespmem:s19], [sflag:$0x2] =	stream.indirect.gather [hbm4b:s3+s11], $0x40, s14, s11, $0xb8;
	[tilespmem:$0x13400] =	vst v63  }
0x4e: {  	s0 =	sadd.s32 $0x2000, s8;
	s16 =	simm.s32 $0x680;
	s18 =	simm.s32 $0x700  }
0x4f: {  	[tilespmem:s21], [sflag:$0x2] =	stream.indirect.gather [hbm4b:s3+s11], $0x40, s16, s11, $0xb8;
	[tilespmem:$0x13400] =	vst v63  }
0x50: {  	s1 =	simm.s32 $0x1000;
	s14 =	sadd.s32 $0x2000, s9;
	s16 =	simm.s32 $0x780  }
0x51: {  	[tilespmem:s23], [sflag:$0x2] =	stream.indirect.gather [hbm4b:s3+s11], $0x40, s18, s11, $0xb8;
	[tilespmem:$0x13400] =	vst v63  }
.LBB2_2:
0x52: {  	[tilespmem:s25], [sflag:$0x2] =	stream.indirect.gather [hbm4b:s3+s11], $0x40, s16, s11, $0xb8;
	[tilespmem:$0x13400] =	vst v63  }
0x53: {  	s16 =	smov.u32 s1  }
0x54: {  	p0 =	sne.s32 s1, $0xB000;
	s1 =	sadd.s32 $0x1000, s1;
	_ =	swait.ge [sflag:s26], $0x2000  }
0x55: {  	[sflag:s26] =	ssyncset.done $0x0  }
0x56: {  	[sflag:s26] =	ssyncadd.s32 $0xFFFFE000  }
0x57: {  	_ =	swait.ge [sflag:s26], $0x2000  }
0x58: {  	[sflag:s26] =	ssyncset.done $0x0  }
0x59: {  	[sflag:s26] =	ssyncadd.s32 $0xFFFFE000  }
0x5a: {  	_ =	swait.ge [sflag:s26], $0x2000  }
0x5b: {  	[sflag:s26] =	ssyncset.done $0x0  }
0x5c: {  	[sflag:s26] =	ssyncadd.s32 $0xFFFFE000  }
0x5d: {  	_ =	swait.ge [sflag:s26], $0x2000  }
0x5e: {  	[sflag:s26] =	ssyncset.done $0x0  }
0x5f: {  	[sflag:s26] =	ssyncadd.s32 $0xFFFFE000  }
0x60: {  	[hbm4b:s0+s2] =	stream.linear.scatter [tilespmem:s12], [sflag:$0x3], $0x8000, $0x38;
	[tilespmem:$0x13400] =	vst v63  }
0x61: {  	_ =	swait.ge [sflag:s28], $0x8000  }
0x62: {  	s16 =	sshra.s32 s16, $0x2;
	[sflag:s28] =	ssyncset.done $0x0  }
0x63: {  	s18 =	sadd.s32 $0x400, s16;
	[sflag:s28] =	ssyncadd.s32 $0xFFFF8000  }
0x64: {  	[tilespmem:s12], [sflag:$0x1] =	stream.indirect.gather [hbm4b:s3+s11], $0x40, s18, s11, $0xb8;
	[tilespmem:$0x13400] =	vst v63  }
0x65: {  	s18 =	sadd.s32 $0x480, s16  }
0x66: {  	[tilespmem:s13], [sflag:$0x1] =	stream.indirect.gather [hbm4b:s3+s11], $0x40, s18, s11, $0xb8;
	[tilespmem:$0x13400] =	vst v63  }
0x67: {  	s18 =	sadd.s32 $0x500, s16  }
0x68: {  	[tilespmem:s15], [sflag:$0x1] =	stream.indirect.gather [hbm4b:s3+s11], $0x40, s18, s11, $0xb8;
	[tilespmem:$0x13400] =	vst v63  }
0x69: {  	s18 =	sadd.s32 $0x580, s16  }
0x6a: {  	[tilespmem:s17], [sflag:$0x1] =	stream.indirect.gather [hbm4b:s3+s11], $0x40, s18, s11, $0xb8;
	[tilespmem:$0x13400] =	vst v63  }
0x6b: {  	_ =	swait.ge [sflag:s29], $0x2000  }
0x6c: {  	[sflag:s29] =	ssyncset.done $0x0  }
0x6d: {  	[sflag:s29] =	ssyncadd.s32 $0xFFFFE000  }
0x6e: {  	_ =	swait.ge [sflag:s29], $0x2000  }
0x6f: {  	[sflag:s29] =	ssyncset.done $0x0  }
0x70: {  	[sflag:s29] =	ssyncadd.s32 $0xFFFFE000  }
0x71: {  	_ =	swait.ge [sflag:s29], $0x2000  }
0x72: {  	[sflag:s29] =	ssyncset.done $0x0  }
0x73: {  	[sflag:s29] =	ssyncadd.s32 $0xFFFFE000  }
0x74: {  	_ =	swait.ge [sflag:s29], $0x2000  }
0x75: {  	[sflag:s29] =	ssyncset.done $0x0  }
0x76: {  	[sflag:s29] =	ssyncadd.s32 $0xFFFFE000  }
0x77: {  	[hbm4b:s14+s2] =	stream.linear.scatter [tilespmem:s19], [sflag:$0x4], $0x8000, $0x38;
	[tilespmem:$0x13400] =	vst v63  }
0x78: {  	_ =	swait.ge [sflag:s30], $0x8000  }
0x79: {  	[sflag:s30] =	ssyncset.done $0x0  }
0x7a: {  	s18 =	sadd.s32 $0x600, s16;
	[sflag:s30] =	ssyncadd.s32 $0xFFFF8000  }
0x7b: {  	[tilespmem:s19], [sflag:$0x2] =	stream.indirect.gather [hbm4b:s3+s11], $0x40, s18, s11, $0xb8;
	[tilespmem:$0x13400] =	vst v63  }
.Ltmp0:
0x7c: {  	s18 =	sadd.s32 $0x680, s16;
	(pc) =	sbr.rel @p0 .LBB2_2-.Ltmp0, $4  }
0x7d: {  	[tilespmem:s21], [sflag:$0x2] =	stream.indirect.gather [hbm4b:s3+s11], $0x40, s18, s11, $0xb8;
	[tilespmem:$0x13400] =	vst v63  }
0x7e: {  	s18 =	sadd.s32 $0x700, s16  }
0x7f: {  	[tilespmem:s23], [sflag:$0x2] =	stream.indirect.gather [hbm4b:s3+s11], $0x40, s18, s11, $0xb8;
	[tilespmem:$0x13400] =	vst v63  }
0x80: {  	s0 =	sadd.s32 $0x2000, s0;
	s14 =	sadd.s32 $0x2000, s14;
	s16 =	sadd.s32 $0x780, s16  }
0x81: {  	[tilespmem:s25], [sflag:$0x2] =	stream.indirect.gather [hbm4b:s3+s11], $0x40, s16, s11, $0xb8;
	[tilespmem:$0x13400] =	vst v63  }
0x82: {  	_ =	swait.ge [sflag:s26], $0x2000  }
0x83: {  	[sflag:s26] =	ssyncset.done $0x0  }
0x84: {  	[sflag:s26] =	ssyncadd.s32 $0xFFFFE000  }
0x85: {  	_ =	swait.ge [sflag:s26], $0x2000  }
0x86: {  	[sflag:s26] =	ssyncset.done $0x0  }
0x87: {  	[sflag:s26] =	ssyncadd.s32 $0xFFFFE000  }
0x88: {  	_ =	swait.ge [sflag:s26], $0x2000  }
0x89: {  	[sflag:s26] =	ssyncset.done $0x0  }
0x8a: {  	[sflag:s26] =	ssyncadd.s32 $0xFFFFE000  }
0x8b: {  	_ =	swait.ge [sflag:s26], $0x2000  }
0x8c: {  	[sflag:s26] =	ssyncset.done $0x0  }
0x8d: {  	[sflag:s26] =	ssyncadd.s32 $0xFFFFE000  }
0x8e: {  	[hbm4b:s5+s2] =	stream.linear.scatter [tilespmem:s12], [sflag:$0x3], $0x8000, $0x38;
	[tilespmem:$0x13400] =	vst v63  }
0x8f: {  	_ =	swait.ge [sflag:s29], $0x2000  }
0x90: {  	[sflag:s29] =	ssyncset.done $0x0  }
0x91: {  	[sflag:s29] =	ssyncadd.s32 $0xFFFFE000  }
0x92: {  	_ =	swait.ge [sflag:s29], $0x2000  }
0x93: {  	[sflag:s29] =	ssyncset.done $0x0  }
0x94: {  	[sflag:s29] =	ssyncadd.s32 $0xFFFFE000  }
0x95: {  	_ =	swait.ge [sflag:s29], $0x2000  }
0x96: {  	[sflag:s29] =	ssyncset.done $0x0  }
0x97: {  	[sflag:s29] =	ssyncadd.s32 $0xFFFFE000  }
0x98: {  	_ =	swait.ge [sflag:s29], $0x2000  }
0x99: {  	[sflag:s29] =	ssyncset.done $0x0  }
0x9a: {  	s31 =	sadd.s32 $0x1, s31;
	[sflag:s29] =	ssyncadd.s32 $0xFFFFE000  }
0x9b: {  	[hbm4b:s6+s2] =	stream.linear.scatter [tilespmem:s19], [sflag:$0x4], $0x8000, $0x38;
	[tilespmem:$0x13400] =	vst v63  }
0x9c: {  	p0 =	sne.s32 s31, s7;
	_ =	swait.ge [sflag:s28], $0x8000  }
.Ltmp1:
0x9d: {  	[sflag:s28] =	ssyncset.done $0x0;
	(pc) =	sbr.rel @p0 .LBB2_1-.Ltmp1, $4  }
0x9e: {  	[sflag:s28] =	ssyncadd.s32 $0xFFFF8000  }
0x9f: {  	_ =	swait.ge [sflag:s30], $0x8000  }
0xa0: {  	[sflag:s30] =	ssyncset.done $0x0  }
0xa1: {  	[sflag:s30] =	ssyncadd.s32 $0xFFFF8000  }
0xa2: {  	_ =	sfence.sel $0x180000  }
0xa3: {  	[bflag:$0x0] =	sbarrier.arrive $0xFFFF  }
0xa4: {  	_ =	strace $0x90000047  }
0xa5: {  	s0 =	stileid.u32;
	[bflag:$0x2] =	sbarrier.arrive $0xFFFF  }
0xa6: {  	p0 =	sne.s32 s0, $0x0;
	s0 =	rddreg [dreg:$0x2]  }
0xa7: {  	s0 =	sadd.s32 @!p0 $0x100000, s0  }
0xa8: {  	[sflag:s0] =	ssyncadd.tile.s32 @!p0 $0x1;
	_ =	shalt  }
.Lfunc_end2:
_tile_overlayer_lowered:
.L_overlay_start_2:
0xa9: {  	(tag) =	ssettag $0x2  }
0xaa: {  	s0 =	rddreg [dreg:$0x0];
	s2 =	stileid.u32  }
0xab: {  	s1 =	rddreg [dreg:$0x1];
	p0 =	sne.s32 s2, $0x0  }
0xac: {  	s3 =	rddreg [dreg:$0x2];
	[bflag:$0x3] =	sbarrier.arrive $0xFFFF;
	s2 =	simm.s32 @!p0 $0x1C05  }
0xad: {  	[timem:s3], [sflag:s2] =	dma.local @!p0 [hbm:s0], s1  }
0xae: {  	s0 =	simm.s32 @!p0 $0x5  }
0xaf: {  	_ =	swait.ge @!p0 [sflag:s0], s1  }
0xb0: {  	s1 =	ssub.s32 @!p0 $0x0, s1;
	[sflag:s0] =	ssyncset.done @!p0 $0x0  }
0xb1: {  	[sflag:s0] =	ssyncadd.s32 @!p0 s1  }
0xb2: {  	[bflag:$0x3] =	sbarrier.arrive $0xFFFF  }
0xb3: {  	_ =	shalt  }

// kernel: sparse-core-data-format-call.cloned.1.call-start
scs
called_computation_lowered:
.L_overlay_start_0:
0x0: {  	s2 =	sld [smem:$0x3FD9]  }
0x1: {  	s3 =	sld [smem:$0x3FFE];
	_ =	sdelay $0x1  }
0x2: {  	s1 =	srdreg.scid  }
0x3: {  	s0 =	sand.u32 $0x1, s1  }
0x4: {  	s18 =	sshll.u32 s0, $0xA;
	s2 =	sadd.s32 s3, s2  }
0x5: {  	s2 =	sadd.s32 s2, s18  }
0x6: {  	[smem:$0x3FC6] =	sst s2  }
0x7: {  	_ = 	snop  }
0x8: {  	s2 =	sld [smem:$0x3FD0];
	(tm) =	ssettm $0x1  }
0x9: {  	s19 =	sld [smem:$0x3FFB];
	_ =	sdelay $0x3  }
0xa: {  	_ =	strace s19  }
0xb: {  	s3 =	sld [smem:$0x3FFC];
	_ =	sdelay $0x3  }
0xc: {  	_ =	strace s3  }
0xd: {  	s3 =	sld [smem:$0x3FFD];
	_ =	sdelay $0x3  }
0xe: {  	_ =	strace s3  }
0xf: {  	_ =	strace $0x8FFFFFFF  }
0x10: {  	s20 =	sld [smem:$0x3FDB];
	_ =	sdelay $0x1  }
0x11: {  	s4 =	simm.s32 $_scs_section_size  }
0x12: {  	s5 =	simm.s32 $_size__tile_overlayer_lowered;
	s6 =	simm.s32 $_tile_overlayer_lowered  }
0x13: {  	s23 =	simm.s32 $0x1BFF;
	s22 =	sshll.u32 s6, $0x1;
	s3 =	sadd.s32 s4, s20  }
0x14: {  	s7 =	simm.s32 $0x0;
	s21 =	sshll.u32 s5, $0x1;
	s5 =	sadd.s32 s22, s3  }
0x15: {  	[timem:s7], [sflag:s23] =	dma.local [hbm:s5], s21  }
0x16: {  	_ =	swait.ge [sflag:s23], s21  }
0x17: {  	s4 =	ssub.s32 $0x0, s21;
	[sflag:s23] =	ssyncset.done $0x0  }
0x18: {  	[sflag:s23] =	ssyncadd.s32 s4;
	_ =	sdelay $0x1  }
0x19: {  	s24 =	simm.s32 $0x1B8B  }
0x1a: {  	_ =	swait.ge [sflag:s24], $0x1  }
0x1b: {  	[sflag:s24] =	ssyncset.done $0x0  }
0x1c: {  	s26 =	simm.s32 $0x1B8E;
	s25 =	sld [smem:$0x3FFE];
	[sflag:s24] =	ssyncadd.s32 $0xFFFFFFFF  }
0x1d: {  	s27 =	simm.s32 $execute0_lowered;
	[smem:$0x3FD2] =	sst s26  }
0x1e: {  	s5 =	sshll.u32 s27, $0x1;
	_ =	strace $0x80000049;
	[dreg:$0x1] =	wrdreg $0xFFFFFFFF  }
0x1f: {  	s28 =	simm.s32 $_size_execute0_lowered;
	s3 =	sadd.s32 s3, s5;
	[dreg:$0x0] =	wrdreg $0x0  }
0x20: {  	s5 =	sshll.u32 s28, $0x1;
	[dreg:$0x2] =	wrdreg s3  }
0x21: {  	[dreg:$0x3] =	wrdreg s5  }
0x22: {  	[dreg:$0x4] =	wrdreg $0xC0  }
0x23: {  	_ =	task [dreg:s7], $0x5FFFF  }
0x24: {  	[dreg:$0x1] =	wrdreg $0xFFFFFFFF  }
0x25: {  	[dreg:$0x0] =	wrdreg $0x60  }
0x26: {  	[dreg:$0x2] =	wrdreg s25  }
0x27: {  	[dreg:$0x3] =	wrdreg s2  }
0x28: {  	[dreg:$0x4] =	wrdreg $0x9  }
0x29: {  	_ =	task.clear_ibuf [dreg:s7], $0x5FFFF;
	_ =	strace $0x90000049  }
0x2a: {  	s29 =	simm.s32 $0x9;
	_ =	strace $0x8000004B  }
0x2b: {  	_ =	swait.ge [sflag:s29], $0x1  }
0x2c: {  	[sflag:s29] =	ssyncadd.s32 $0xFFFFFFFF  }
0x2d: {  	_ =	strace $0x9000004B  }
0x2e: {  	_ =	sfence  }
0x2f: {  	s30 =	sld [smem:$0x0];
	_ =	sdelay $0x2  }
0x30: {  	s31 =	sshll.u32 s1, $0xD;
	s1 =	sshrl.u32 s1, $0x2  }
0x31: {  	s3 =	sand.u32 $0x4000, s31;
	s1 =	sadd.s32 s1, s30  }
0x32: {  	s0 =	sor.u32 s3, s0;
	s1 =	sshll.u32 s1, $0x11  }
0x33: {  	s0 =	sor.u32 s1, s0  }
0x34: {  	s0 =	sadd.s32 $0x8F2B, s0  }
0x35: {  	[sflag:s0] =	ssyncadd.remote.s32 $0x1  }
0x36: {  	_ =	sfence.sel $0xFFFF  }
0x37: {  	[dreg:$0x0] =	wrdreg $0xFFFFFFFF;
	(pc) =	sbr.abs _section_cstart, $3  }
0x38: {  	[dreg:$0x1] =	wrdreg $0xFFFFFFFF  }
0x39: {  	_ =	task.clear_ibuf [dreg:s7], $0x2FFFF;
	_ =	strace $0x9FFFFFFF  }
0x3a: {  	(tm) =	ssettm $0x7FFFFFFF  }
0x3b: {  	_ =	shalt  }
tec
execute0_lowered:
.L_overlay_start_1:
0x0: {  	(tag) =	ssettag $0x1  }
0x1: {  	s0 =	srdreg.scid  }
0x2: {  	s1 =	sshll.u32 s0, $0x4  }
0x3: {  	s0 =	stileid.u32;
	s1 =	sand.u32 $0x10, s1  }
0x4: {  	s7 =	rddreg [dreg:$0x0];
	s1 =	sor.u32 s0, s1  }
0x5: {  	s4 =	simm.s32 $0x1;
	s8 =	simm.s32 $0x2;
	s2 =	sshll.u32 s1, $0x7  }
0x6: {  	s13 =	simm.s32 $0x0;
	s9 =	simm.s32 $0x20000;
	s1 =	ssub.s32 $0x4000, s2  }
0x7: {  	s14 =	simm.s32 $0x0;
	s11 =	simm.s32 $0x0;
	s3 =	sand.u32 $0xF80, s1  }
0x8: {  	s12 =	simm.s32 $0x0;
	s5 =	sshrl.u32 s1, $0xC;
	p0 =	sne.s32 s3, $0x0  }
.Ltmp0:
0x9: {  	s1 =	rddreg [dreg:$0x2];
	s4 =	simm.s32 @!p0 $0x0;
	(pc) =	sbr.rel .LBB1_1-.Ltmp0, $4  }
0xa: {  	s6 =	sadd.s32 $0xC00, s7;
	s3 =	rddreg [dreg:$0x1];
	s5 =	sadd.s32 s4, s5  }
0xb: {  	_ =	strace $0x8000004A;
	s4 =	simm.s32 $0x1;
	s5 =	smul.u32 $0xD, s5  }
0xc: {  	s7 =	sadd.s32 $0x40C00, s7;
	s10 =	smov.u32 s2;
	[sflag:s4] =	ssyncpa.u1 $0x0  }
0xd: {  	p0 =	por $0x0, $0x0;
	[sflag:s8] =	ssyncpa.u1 $0x0;
	s8 =	sadd.s32 $0x1, s5  }
.LBB1_7:
0xe: {  	s15 =	sadd.s32 $0x1000, s10  }
0xf: {  	s13 =	sadd.s32 $0x2, s11;
	s17 =	smov.u32 s11;
	p2 =	sgt.s32 s15, $0x3FFF  }
0x10: {  	s17 =	smov.u32 @p2 s13  }
0x11: {  	s15 =	smov.u32 @p2 s2;
	p2 =	sgt.s32 s17, $0x19  }
0x12: {  	s17 =	simm.s32 @p2 $0x0;
	p2 =	sne.s32 s12, s8  }
.Ltmp1:
0x13: {  	p1 =	slt.u32 s12, $0x2;
	(pc) =	sbr.rel @!p2 .LBB1_8-.Ltmp1, $4  }
0x14: {  	s16 =	simm.s32 @!p1 $0x2  }
0x15: {  	s14 =	smov.u32 s11;
	p0 =	por !p0, !p0;
	_ =	swait.ge @!p1 [sflag:s16], $0x4000  }
0x16: {  	s13 =	smov.u32 s10;
	[sflag:s16] =	ssyncset.done @!p1 $0x0;
	s10 =	smov.u32 s15  }
0x17: {  	s12 =	sadd.s32 $0x1, s12;
	[sflag:s16] =	ssyncadd.s32 @!p1 $0xFFFFC000;
	s11 =	smov.u32 s17  }
.LBB1_1:
0x18: {  	p1 =	sge.u32 s12, s5  }
0x19: {  	s15 =	sxor.u32 @!p1 $0xFFFFFFFF, s12;
	s16 =	sshll.u32 @!p1 s11, $0x12  }
0x1a: {  	s17 =	sshll.u32 @!p1 s10, $0x4;
	s19 =	simm.s32 @!p1 $0x40;
	s20 =	simm.s32 @!p1 $0x80  }
0x1b: {  	s15 =	sshll.u32 @!p1 s15, $0xE;
	s17 =	sand.u32 @!p1 $0x3FFF0, s17;
	s18 =	sadd.s32 @!p1 s6, s16  }
0x1c: {  	s16 =	sadd.s32 @!p1 s16, s7;
	s15 =	sand.u32 @!p1 $0x4000, s15;
	s18 =	sadd.s32 @!p1 s17, s18  }
0x1d: {  	[tilespmem:s15], [sflag:$0x1] =	stream.strided.gather @!p1 [hbm4b:s18+s19], $0x2000, s20, s19, $0x38;
	[tilespmem:$0x10100] =	vst v63  }
0x1e: {  	s31 =	sadd.s32 $0xFFFFFFFF, s12;
	s16 =	sadd.s32 @!p1 s17, s16;
	s15 =	sor.u32 @!p1 $0x2000, s15  }
0x1f: {  	[tilespmem:s15], [sflag:$0x1] =	stream.strided.gather @!p1 [hbm4b:s16+s19], $0x2000, s20, s19, $0x38;
	[tilespmem:$0x10100] =	vst v63  }
0x20: {  	p1 =	sge.u32 s31, s5  }
.Ltmp2:
0x21: {  	_ = 	snop;
	(pc) =	sbr.rel @p1 .LBB1_7-.Ltmp2, $1  }
0x22: {  	_ =	sdelay $0x3  }
0x23: {  	s15 =	simm.s32 $0x1;
	s17 =	sand.u32 $0x1, s12  }
0x24: {  	_ =	swait.ge [sflag:s4], $0x4000;
	s15 =	simm.s32 @!p0 $0x0;
	s17 =	smul.u32 $0x10200, s17  }
0x25: {  	p2 =	por $0x1, $0x1;
	[sflag:s4] =	ssyncset.done $0x0;
	s16 =	smul.u32 $0x10200, s15  }
0x26: {  	s18 =	sshll.u32 s15, $0x10;
	[sflag:s4] =	ssyncadd.s32 $0xFFFFC000;
	s30 =	sshrl.u32 s17, $0x2  }
0x27: {  	s31 =	sshrl.u32 s18, $0x2;
	s18 =	simm.s32 $0x0;
	s16 =	sshrl.u32 s16, $0x2  }
0x28: {  	s15 =	sor.u32 $0x8000, s30;
	s17 =	sadd.s32 $0x20, s31;
	s16 =	sor.u32 $0x8000, s16  }
.LBB1_3:
0x29: {  	s19 =	sshll.u32 s18, $0xD  }
0x2a: {  	s19 =	sand.u32 $0x3FFFE000, s19  }
0x2b: {  	s21 =	sadd.s32 s19, s17  }
0x2c: {  	s31 =	smul.u32 $0x8100, s18;
	v3 =	vld [tilespmem:s21+$0x10]  }
0x2d: {  	v1 =	vld [tilespmem:s21+$0xFFFFFFF0]  }
0x2e: {  	s18 =	sshra.s32 s31, $0x2;
	v0 =	vld [tilespmem:s21+$0x0]  }
0x2f: {  	s18 =	sadd.s32 s18, s16;
	v2 =	vld [tilespmem:s21+$0xFFFFFFE0]  }
0x30: {  	s19 =	sadd.s32 $0x0, s18  }
0x31: {  	p1 =	por p2, p2;
	s20 =	simm.s32 $0x4;
	s21 =	sadd.s32 $0x40, s21;
	[tilespmem:s19+$0x1830 ss:$0x81] =	vst.msk $0xffff, v3  }
.LBB1_4:
0x32: {  	v3 =	vld [tilespmem:s21+$0x10];
	p2 =	sne.s32 s20, $0x1FC;
	[tilespmem:s19+$0x810 ss:$0x81] =	vst.msk $0xffff, v1;
	s22 =	smov.u32 s20;
	s20 =	sadd.s32 $0x4, s20  }
.Ltmp3:
0x33: {  	v1 =	vld [tilespmem:s21+$0xFFFFFFF0];
	[tilespmem:s19+$0x1020 ss:$0x81] =	vst.msk $0xffff, v0;
	(pc) =	sbr.rel @p2 .LBB1_4-.Ltmp3, $4  }
0x34: {  	v0 =	vld [tilespmem:s21+$0x0];
	[tilespmem:s19+$0x0 ss:$0x81] =	vst.msk $0xffff, v2  }
0x35: {  	s19 =	sshra.s32 s22, $0x2;
	v2 =	vld [tilespmem:s21+$0xFFFFFFE0]  }
0x36: {  	s19 =	sadd.s32 s19, s18  }
0x37: {  	s21 =	sadd.s32 $0x40, s21;
	[tilespmem:s19+$0x1830 ss:$0x81] =	vst.msk $0xffff, v3  }
.Ltmp4:
0x38: {  	(pc) =	sbr.rel @p1 .LBB1_3-.Ltmp4, $4  }
0x39: {  	_ = 	snop  }
0x3a: {  	[tilespmem:s19+$0x810 ss:$0x81] =	vst.msk $0xffff, v1  }
0x3b: {  	[tilespmem:s19+$0x1020 ss:$0x81] =	vst.msk $0xffff, v0  }
0x3c: {  	s18 =	simm.s32 $0x1;
	p2 =	por $0x0, $0x0;
	[tilespmem:s19+$0x0 ss:$0x81] =	vst.msk $0xffff, v2  }
0x3d: {  	s16 =	sshll.u32 s13, $0x3;
	s17 =	sand.u32 $0x78, s13;
	s14 =	sshll.u32 s14, $0x11  }
.Ltmp5:
0x3e: {  	s30 =	sand.u32 $0x1F800, s13;
	s16 =	sand.u32 $0x3C00, s16;
	(pc) =	sbr.rel .LBB1_7-.Ltmp5, $4  }
0x3f: {  	s31 =	sand.u32 $0x7, s13;
	s14 =	sadd.s32 s3, s14;
	s16 =	sor.u32 s17, s16  }
0x40: {  	s13 =	sshll.u32 s31, $0x12;
	s14 =	sadd.s32 s30, s14;
	s16 =	sshrl.u32 s16, $0x3  }
0x41: {  	s13 =	sor.u32 $0x400, s13;
	s14 =	sadd.s32 s16, s14  }
0x42: {  	[hbm4b:s14+s13] =	stream.strided.scatter [tilespmem:s15], [sflag:$0x2], $0x4000, s9, s13, $0x20;
	[tilespmem:$0x10100] =	vst v63  }
.LBB1_8:
0x43: {  	_ =	sfence.sel $0x180000  }
0x44: {  	s2 =	simm.s32 $0x1;
	[bflag:$0x0] =	sbarrier.arrive $0xFFFF  }
0x45: {  	s31 =	simm.s32 $0x2;
	[sflag:s2] =	ssyncpa.u1 $0x1  }
0x46: {  	[sflag:s31] =	ssyncpa.u1 $0x1  }
0x47: {  	p0 =	sne.s32 s0, $0x0;
	_ =	strace $0x9000004A  }
0x48: {  	s0 =	sadd.s32 @!p0 $0x100000, s1;
	[bflag:$0x2] =	sbarrier.arrive $0xFFFF  }
0x49: {  	[sflag:s0] =	ssyncadd.tile.s32 @!p0 $0x1;
	_ =	shalt  }
.Lfunc_end1:
_tile_overlayer_lowered:
.L_overlay_start_2:
0x4a: {  	(tag) =	ssettag $0x2  }
0x4b: {  	s0 =	rddreg [dreg:$0x0];
	s2 =	stileid.u32  }
0x4c: {  	s1 =	rddreg [dreg:$0x1];
	p0 =	sne.s32 s2, $0x0  }
0x4d: {  	s3 =	rddreg [dreg:$0x2];
	[bflag:$0x3] =	sbarrier.arrive $0xFFFF;
	s2 =	simm.s32 @!p0 $0x1C01  }
0x4e: {  	[timem:s3], [sflag:s2] =	dma.local @!p0 [hbm:s0], s1  }
0x4f: {  	s0 =	simm.s32 @!p0 $0x1  }
0x50: {  	_ =	swait.ge @!p0 [sflag:s0], s1  }
0x51: {  	s1 =	ssub.s32 @!p0 $0x0, s1;
	[sflag:s0] =	ssyncset.done @!p0 $0x0  }
0x52: {  	[sflag:s0] =	ssyncadd.s32 @!p0 s1  }
0x53: {  	[bflag:$0x3] =	sbarrier.arrive $0xFFFF  }
0x54: {  	_ =	shalt  }

</sc_bundles>
